<compile_context>
chip_gen: v7x
topology: tpu7x:2x2x1
jax: 0.10.2.dev20260603
libtpu: 0.0.44.dev20260713+nightly
codegen_flags: <defaults>
</compile_context>

<pallas_src>
import functools

import jax
import jax.numpy as jnp
from jax import lax
from jax.experimental import pallas as pl
from jax.experimental.pallas import tpu as pltpu
from jax.experimental.pallas import tpu_sc as plsc

D_MODEL = 1024
EPS = 1e-5

_NUM_WORKERS = 32
_NCHUNKS = 2


def _sc_gather_chunk(token_table, ids_2d, k, cs, ch, nb):
    b, s = ids_2d.shape
    d = token_table.shape[1]
    n = b * cs
    b_per_w = n // _NUM_WORKERS
    w_per_batch = _NUM_WORKERS // b
    n_ch = b_per_w // ch
    mesh = plsc.VectorSubcoreMesh(core_axis_name="c", subcore_axis_name="s")

    @functools.partial(
        pl.kernel,
        mesh=mesh,
        out_type=jax.ShapeDtypeStruct((n, d), jnp.float32),
        scratch_types=[
            pltpu.VMEM((b_per_w,), jnp.int32),
        ]
        + [pltpu.VMEM((ch, d), jnp.float32) for _ in range(nb)]
        + [pltpu.SemaphoreType.DMA for _ in range(2 * nb)],
    )
    def gather_kernel(table_hbm, idx_hbm, out_hbm, idx_v, *rest):
        bufs = rest[:nb]
        gsems = rest[nb:2 * nb]
        wsems = rest[2 * nb:]
        wid = lax.axis_index("s") * 2 + lax.axis_index("c")
        bb = wid // w_per_batch
        col0 = k * cs + (wid % w_per_batch) * b_per_w
        base = wid * b_per_w
        pltpu.sync_copy(idx_hbm.at[bb, pl.ds(col0, b_per_w)], idx_v)

        def start_gather(c):
            cp = pltpu.make_async_copy(
                table_hbm.at[idx_v.at[pl.ds(c * ch, ch)]],
                bufs[c % nb],
                gsems[c % nb],
            )
            cp.start()
            return cp

        def start_wb(c):
            cp = pltpu.make_async_copy(
                bufs[c % nb],
                out_hbm.at[pl.ds(base + c * ch, ch)],
                wsems[c % nb],
            )
            cp.start()
            return cp

        gathers = [None] * n_ch
        wbs = [None] * n_ch
        for c in range(min(nb - 1, n_ch)):
            gathers[c] = start_gather(c)
        for c in range(n_ch):
            gathers[c].wait()
            wbs[c] = start_wb(c)
            j = c + nb - 1
            if j < n_ch:
                if c >= 1:
                    wbs[c - 1].wait()
                gathers[j] = start_gather(j)
        for c in range(max(0, n_ch - nb), n_ch):
            if wbs[c] is not None:
                wbs[c].wait()

    return gather_kernel(token_table, ids_2d)


def _ln_math(x, segtab_ref, gamma_ref, beta_ref, segf_row):
    s0 = segtab_ref[0, :]
    s1 = segtab_ref[1, :]
    segf = segf_row.reshape(-1, 1)
    x = x + s0[None, :] + segf * (s1 - s0)[None, :]
    mean = jnp.mean(x, axis=-1, keepdims=True)
    xc = x - mean
    var = jnp.mean(xc * xc, axis=-1, keepdims=True)
    return gamma_ref[...] * (xc * lax.rsqrt(var + EPS)) + beta_ref[...]


def _ln_body(g_ref, pos_ref, segf_ref, segtab_ref, gamma_ref, beta_ref, o_ref):
    x = g_ref[...] + pos_ref[...]
    o_ref[...] = _ln_math(x, segtab_ref, gamma_ref, beta_ref, segf_ref[0, 0, :])


def _ln_body_acc(g_ref, pos_ref, segf_ref, segtab_ref, gamma_ref, beta_ref,
                 prev_ref, o_ref):
    del prev_ref
    x = g_ref[...] + pos_ref[...]
    o_ref[...] = _ln_math(x, segtab_ref, gamma_ref, beta_ref, segf_ref[0, 0, :])


def _tc_ln_chunk(g_k, pos_table, segf, seg_table, gamma, beta, prev, off,
                 cs, batches, s_total, blk):
    d = g_k.shape[1]
    n_total = batches * s_total
    jb = cs // blk
    sb = s_total // blk
    ob = off // blk
    in_specs = [
        pl.BlockSpec((blk, d), lambda jj, bb: (bb * jb + jj, 0)),
        pl.BlockSpec((blk, d), lambda jj, bb: (ob + jj, 0)),
        pl.BlockSpec((1, 1, blk), lambda jj, bb: (bb, 0, ob + jj)),
        pl.BlockSpec((2, d), lambda jj, bb: (0, 0)),
        pl.BlockSpec((1, d), lambda jj, bb: (0, 0)),
        pl.BlockSpec((1, d), lambda jj, bb: (0, 0)),
    ]
    args = [g_k, pos_table, segf, seg_table, gamma, beta]
    if prev is None:
        body = _ln_body
        aliases = {}
    else:
        body = _ln_body_acc
        in_specs = in_specs + [pl.BlockSpec(memory_space=pltpu.MemorySpace.HBM)]
        args = args + [prev]
        aliases = {6: 0}
    return pl.pallas_call(
        body,
        grid=(jb, batches),
        in_specs=in_specs,
        out_specs=pl.BlockSpec((blk, d), lambda jj, bb: (bb * sb + ob + jj, 0)),
        out_shape=jax.ShapeDtypeStruct((n_total, d), jnp.float32),
        input_output_aliases=aliases,
    )(*args)


def kernel(input_ids, segment_ids, token_table, pos_table, seg_table, gamma, beta):
    b, s = input_ids.shape
    cs = s // _NCHUNKS
    ids32 = input_ids.astype(jnp.int32)
    segf = segment_ids.astype(jnp.float32).reshape(b, 1, s)
    gamma2 = gamma.reshape(1, -1)
    beta2 = beta.reshape(1, -1)

    gathered = [
        _sc_gather_chunk(token_table, ids32, k, cs, ch=16, nb=7)
        for k in range(_NCHUNKS)
    ]

    out = None
    for k in range(_NCHUNKS):
        out = _tc_ln_chunk(
            gathered[k], pos_table, segf, seg_table, gamma2, beta2,
            out, k * cs, cs, b, s, blk=512,
        )
    return out.reshape(b, s, D_MODEL)

# --- scband reference (transcript-rebuilt; emitter-appended) ---
"""Pipeline reference for scband-bertembedding-61710090108963 (READ-ONLY COPY).

The authoritative reference and input builder live on the scoring server;
editing this copy changes nothing except your own understanding.
"""

import jax, jax.numpy as jnp
import numpy as np

VOCAB = 100000
D_MODEL = 1024
MAX_SEQ = 2048
B, S = 4, 2048
EPS = 1e-5

def setup_inputs(seed: int = 0) -> dict:
    key = jax.random.key(seed)
    k1, k2, k3, k4, k5 = jax.random.split(key, 5)
    input_ids = jax.random.randint(k1, (B, S), 0, VOCAB, dtype=jnp.int64) if jax.config.jax_enable_x64 else jax.random.randint(k1, (B, S), 0, VOCAB, dtype=jnp.int32)
    segment_ids = jax.random.randint(k2, (B, S), 0, 2, dtype=jnp.int32)
    token_table = jax.random.normal(k3, (VOCAB, D_MODEL), dtype=jnp.float32) * 0.02
    pos_table = jax.random.normal(k4, (MAX_SEQ, D_MODEL), dtype=jnp.float32) * 0.02
    seg_table = jax.random.normal(k5, (2, D_MODEL), dtype=jnp.float32) * 0.02
    gamma = jnp.ones((D_MODEL,), dtype=jnp.float32)
    beta = jnp.zeros((D_MODEL,), dtype=jnp.float32)
    return {"input_ids": input_ids, "segment_ids": segment_ids,
            "token_table": token_table, "pos_table": pos_table,
            "seg_table": seg_table, "gamma": gamma, "beta": beta}

def _layer_norm(x, gamma, beta):
    mean = jnp.mean(x, axis=-1, keepdims=True)
    var = jnp.mean(jnp.square(x - mean), axis=-1, keepdims=True)
    return gamma * (x - mean) / jnp.sqrt(var + EPS) + beta

def reference(input_ids, segment_ids, token_table, pos_table, seg_table, gamma, beta):
    # token embedding: gather rows of token_table
    token_emb = jnp.take(token_table, input_ids, axis=0)          # [B, S, D]
    # position embedding: arange over seq_len, broadcast over batch
    seq_length = input_ids.shape[1]
    position_ids = jnp.arange(seq_length, dtype=jnp.int32)
    position_ids = jnp.broadcast_to(position_ids[None, :], input_ids.shape)
    pos_emb = jnp.take(pos_table, position_ids, axis=0)           # [B, S, D]
    # segment embedding
    seg_emb = jnp.take(seg_table, segment_ids, axis=0)            # [B, S, D]
    embeddings = token_emb + pos_emb + seg_emb
    # LayerNorm (dropout is identity in eval mode)
    return _layer_norm(embeddings, gamma, beta)

if __name__ == "__main__":
    import jax
    _d = setup_inputs()
    print(jax.jit(kernel)(*tuple(_d.values())))

</pallas_src>

<mosaic_0001>
#map = affine_map<(d0, d1) -> (0, 0)>
module attributes {stable_mosaic.version = 14 : i64} {
  func.func @gather_kernel(%arg0: i32, %arg1: i32, %arg2: memref<100000x1024xf32, #tpu.memory_space<hbm>>, %arg3: memref<4x2048xi32, #tpu.memory_space<hbm>>, %arg4: memref<4096x1024xf32, #tpu.memory_space<hbm>>, %arg5: memref<128xi32, #tpu.memory_space<vmem>>, %arg6: memref<16x1024xf32, #tpu.memory_space<vmem>>, %arg7: memref<16x1024xf32, #tpu.memory_space<vmem>>, %arg8: memref<16x1024xf32, #tpu.memory_space<vmem>>, %arg9: memref<16x1024xf32, #tpu.memory_space<vmem>>, %arg10: memref<16x1024xf32, #tpu.memory_space<vmem>>, %arg11: memref<16x1024xf32, #tpu.memory_space<vmem>>, %arg12: memref<16x1024xf32, #tpu.memory_space<vmem>>, %arg13: memref<!tpu.dma_semaphore, #tpu.memory_space<semaphore_mem>>, %arg14: memref<!tpu.dma_semaphore, #tpu.memory_space<semaphore_mem>>, %arg15: memref<!tpu.dma_semaphore, #tpu.memory_space<semaphore_mem>>, %arg16: memref<!tpu.dma_semaphore, #tpu.memory_space<semaphore_mem>>, %arg17: memref<!tpu.dma_semaphore, #tpu.memory_space<semaphore_mem>>, %arg18: memref<!tpu.dma_semaphore, #tpu.memory_space<semaphore_mem>>, %arg19: memref<!tpu.dma_semaphore, #tpu.memory_space<semaphore_mem>>, %arg20: memref<!tpu.dma_semaphore, #tpu.memory_space<semaphore_mem>>, %arg21: memref<!tpu.dma_semaphore, #tpu.memory_space<semaphore_mem>>, %arg22: memref<!tpu.dma_semaphore, #tpu.memory_space<semaphore_mem>>, %arg23: memref<!tpu.dma_semaphore, #tpu.memory_space<semaphore_mem>>, %arg24: memref<!tpu.dma_semaphore, #tpu.memory_space<semaphore_mem>>, %arg25: memref<!tpu.dma_semaphore, #tpu.memory_space<semaphore_mem>>, %arg26: memref<!tpu.dma_semaphore, #tpu.memory_space<semaphore_mem>>) attributes {dimension_semantics = [#tpu.dimension_semantics<core_parallel>, #tpu.dimension_semantics<subcore_parallel>], iteration_bounds = array<i64: 2, 16>, scalar_prefetch = 0 : i64, scratch_operands = 22 : i64, tpu.core_type = #tpu.core_type<sc_vector_subcore>, window_params = [{transform_indices = #map}, {transform_indices = #map}, {transform_indices = #map}]} {
    %mul3A = arith.constant 2 : i32
    %mul3A_0 = arith.muli %arg1, %mul3A : i32
    %add3A = arith.addi %mul3A_0, %arg0 : i32
    %jit3A = arith.constant 8 : i32
    %div3A = arith.divsi %add3A, %jit3A : i32
    %sign3A = arith.constant 0 : i32
    %sign3A_1 = arith.cmpi sgt, %add3A, %sign3A : i32
    %sign3A_2 = arith.extui %sign3A_1 : i1 to i32
    %sign3A_3 = arith.constant 0 : i32
    %sign3A_4 = arith.cmpi slt, %add3A, %sign3A_3 : i32
    %sign3A_5 = arith.extui %sign3A_4 : i1 to i32
    %sign3A_6 = arith.subi %sign3A_2, %sign3A_5 : i32
    %sign3A_7 = arith.constant 0 : i32
    %sign3A_8 = arith.cmpi sgt, %jit3A, %sign3A_7 : i32
    %sign3A_9 = arith.extui %sign3A_8 : i1 to i32
    %sign3A_10 = arith.constant 0 : i32
    %sign3A_11 = arith.cmpi slt, %jit3A, %sign3A_10 : i32
    %sign3A_12 = arith.extui %sign3A_11 : i1 to i32
    %sign3A_13 = arith.subi %sign3A_9, %sign3A_12 : i32
    %ne3A = arith.cmpi ne, %sign3A_6, %sign3A_13 : i32
    %rem3A = arith.remsi %add3A, %jit3A : i32
    %ne3A_14 = arith.constant 0 : i32
    %ne3A_15 = arith.cmpi ne, %rem3A, %ne3A_14 : i32
    %and3A = arith.andi %ne3A, %ne3A_15 : i1
    %sub3A = arith.constant 1 : i32
    %sub3A_16 = arith.subi %div3A, %sub3A : i32
    %select_n3A = arith.select %and3A, %sub3A_16, %div3A : i32
    %jit3A_17 = arith.constant 8 : i32
    %eq3A = arith.constant 0 : i32
    %eq3A_18 = arith.cmpi eq, %jit3A_17, %eq3A : i32
    %jit3A_19 = arith.constant 1 : i32
    %select_n3A_20 = arith.select %eq3A_18, %jit3A_19, %jit3A_17 : i32
    %rem3A_21 = arith.remsi %add3A, %select_n3A_20 : i32
    %ne3A_22 = arith.constant 0 : i32
    %ne3A_23 = arith.cmpi ne, %rem3A_21, %ne3A_22 : i32
    %lt3A = arith.constant 0 : i32
    %lt3A_24 = arith.cmpi slt, %rem3A_21, %lt3A : i32
    %lt3A_25 = arith.constant 0 : i32
    %lt3A_26 = arith.cmpi slt, %select_n3A_20, %lt3A_25 : i32
    %ne3A_27 = arith.xori %lt3A_24, %lt3A_26 : i1
    %and3A_28 = arith.andi %ne3A_27, %ne3A_23 : i1
    %add3A_29 = arith.addi %rem3A_21, %select_n3A_20 : i32
    %select_n3A_30 = arith.select %and3A_28, %add3A_29, %rem3A_21 : i32
    %mul3A_31 = arith.constant 128 : i32
    %mul3A_32 = arith.muli %select_n3A_30, %mul3A_31 : i32
    %add3A_33 = arith.constant 1024 : i32
    %add3A_34 = arith.addi %add3A_33, %mul3A_32 : i32
    %mul3A_35 = arith.constant 128 : i32
    %mul3A_36 = arith.muli %add3A, %mul3A_35 : i32
    "tpu.region"() ({
      %run_scoped3A = tpu.sem_alloc : memref<!tpu.dma_semaphore, #tpu.memory_space<semaphore_mem>>
      %dma_start3A_195 = tpu.memref_slice %arg3[%select_n3A, %add3A_34] : memref<4x2048xi32, #tpu.memory_space<hbm>> -> memref<1x128xi32, #tpu.memory_space<hbm>>
      %dma_start3A_196 = tpu.memref_squeeze %dma_start3A_195 : memref<1x128xi32, #tpu.memory_space<hbm>> -> memref<128xi32, #tpu.memory_space<hbm>>
      %dma_start3A_197 = tpu.memref_slice %arg3[%select_n3A, %add3A_34] : memref<4x2048xi32, #tpu.memory_space<hbm>> -> memref<1x128xi32, #tpu.memory_space<hbm>>
      %dma_start3A_198 = tpu.memref_squeeze %dma_start3A_197 : memref<1x128xi32, #tpu.memory_space<hbm>> -> memref<128xi32, #tpu.memory_space<hbm>>
      tpu.enqueue_dma source(%dma_start3A_198 : memref<128xi32, #tpu.memory_space<hbm>>) target(%arg5 : memref<128xi32, #tpu.memory_space<vmem>>) target_semaphore(%run_scoped3A : memref<!tpu.dma_semaphore, #tpu.memory_space<semaphore_mem>>)
      %dma_wait3A_199 = tpu.memref_slice %arg3[%select_n3A, %add3A_34] : memref<4x2048xi32, #tpu.memory_space<hbm>> -> memref<1x128xi32, #tpu.memory_space<hbm>>
      %dma_wait3A_200 = tpu.memref_squeeze %dma_wait3A_199 : memref<1x128xi32, #tpu.memory_space<hbm>> -> memref<128xi32, #tpu.memory_space<hbm>>
      %dma_wait3A_201 = tpu.memref_slice %arg3[%select_n3A, %add3A_34] : memref<4x2048xi32, #tpu.memory_space<hbm>> -> memref<1x128xi32, #tpu.memory_space<hbm>>
      %dma_wait3A_202 = tpu.memref_squeeze %dma_wait3A_201 : memref<1x128xi32, #tpu.memory_space<hbm>> -> memref<128xi32, #tpu.memory_space<hbm>>
      tpu.wait_dma2 semaphore(%run_scoped3A : memref<!tpu.dma_semaphore, #tpu.memory_space<semaphore_mem>>) src(%dma_wait3A_202 : memref<128xi32, #tpu.memory_space<hbm>>) dst(%arg5 : memref<128xi32, #tpu.memory_space<vmem>>)
      tpu.yield
    }) : () -> ()
    %dma_start3A = arith.constant 0 : i32
    %dma_start3A_37 = tpu.memref_slice %arg5[%dma_start3A] : memref<128xi32, #tpu.memory_space<vmem>> -> memref<16xi32, #tpu.memory_space<vmem>>
    %dma_start3A_38 = arith.constant 0 : i32
    %dma_start3A_39 = arith.constant 0 : i32
    %dma_start3A_40 = tpu.memref_slice %arg2[%dma_start3A_38, %dma_start3A_39] : memref<100000x1024xf32, #tpu.memory_space<hbm>> -> memref<100000x1024xf32, #tpu.memory_space<hbm>>
    tpu.enqueue_indirect_dma source(%dma_start3A_40 : memref<100000x1024xf32, #tpu.memory_space<hbm>>) target(%arg6 : memref<16x1024xf32, #tpu.memory_space<vmem>>) offsets(%dma_start3A_37 : memref<16xi32, #tpu.memory_space<vmem>>) semaphore(%arg13 : memref<!tpu.dma_semaphore, #tpu.memory_space<semaphore_mem>>)
    %dma_start3A_41 = arith.constant 16 : i32
    %dma_start3A_42 = tpu.memref_slice %arg5[%dma_start3A_41] : memref<128xi32, #tpu.memory_space<vmem>> -> memref<16xi32, #tpu.memory_space<vmem>>
    %dma_start3A_43 = arith.constant 0 : i32
    %dma_start3A_44 = arith.constant 0 : i32
    %dma_start3A_45 = tpu.memref_slice %arg2[%dma_start3A_43, %dma_start3A_44] : memref<100000x1024xf32, #tpu.memory_space<hbm>> -> memref<100000x1024xf32, #tpu.memory_space<hbm>>
    tpu.enqueue_indirect_dma source(%dma_start3A_45 : memref<100000x1024xf32, #tpu.memory_space<hbm>>) target(%arg7 : memref<16x1024xf32, #tpu.memory_space<vmem>>) offsets(%dma_start3A_42 : memref<16xi32, #tpu.memory_space<vmem>>) semaphore(%arg14 : memref<!tpu.dma_semaphore, #tpu.memory_space<semaphore_mem>>)
    %dma_start3A_46 = arith.constant 32 : i32
    %dma_start3A_47 = tpu.memref_slice %arg5[%dma_start3A_46] : memref<128xi32, #tpu.memory_space<vmem>> -> memref<16xi32, #tpu.memory_space<vmem>>
    %dma_start3A_48 = arith.constant 0 : i32
    %dma_start3A_49 = arith.constant 0 : i32
    %dma_start3A_50 = tpu.memref_slice %arg2[%dma_start3A_48, %dma_start3A_49] : memref<100000x1024xf32, #tpu.memory_space<hbm>> -> memref<100000x1024xf32, #tpu.memory_space<hbm>>
    tpu.enqueue_indirect_dma source(%dma_start3A_50 : memref<100000x1024xf32, #tpu.memory_space<hbm>>) target(%arg8 : memref<16x1024xf32, #tpu.memory_space<vmem>>) offsets(%dma_start3A_47 : memref<16xi32, #tpu.memory_space<vmem>>) semaphore(%arg15 : memref<!tpu.dma_semaphore, #tpu.memory_space<semaphore_mem>>)
    %dma_start3A_51 = arith.constant 48 : i32
    %dma_start3A_52 = tpu.memref_slice %arg5[%dma_start3A_51] : memref<128xi32, #tpu.memory_space<vmem>> -> memref<16xi32, #tpu.memory_space<vmem>>
    %dma_start3A_53 = arith.constant 0 : i32
    %dma_start3A_54 = arith.constant 0 : i32
    %dma_start3A_55 = tpu.memref_slice %arg2[%dma_start3A_53, %dma_start3A_54] : memref<100000x1024xf32, #tpu.memory_space<hbm>> -> memref<100000x1024xf32, #tpu.memory_space<hbm>>
    tpu.enqueue_indirect_dma source(%dma_start3A_55 : memref<100000x1024xf32, #tpu.memory_space<hbm>>) target(%arg9 : memref<16x1024xf32, #tpu.memory_space<vmem>>) offsets(%dma_start3A_52 : memref<16xi32, #tpu.memory_space<vmem>>) semaphore(%arg16 : memref<!tpu.dma_semaphore, #tpu.memory_space<semaphore_mem>>)
    %dma_start3A_56 = arith.constant 64 : i32
    %dma_start3A_57 = tpu.memref_slice %arg5[%dma_start3A_56] : memref<128xi32, #tpu.memory_space<vmem>> -> memref<16xi32, #tpu.memory_space<vmem>>
    %dma_start3A_58 = arith.constant 0 : i32
    %dma_start3A_59 = arith.constant 0 : i32
    %dma_start3A_60 = tpu.memref_slice %arg2[%dma_start3A_58, %dma_start3A_59] : memref<100000x1024xf32, #tpu.memory_space<hbm>> -> memref<100000x1024xf32, #tpu.memory_space<hbm>>
    tpu.enqueue_indirect_dma source(%dma_start3A_60 : memref<100000x1024xf32, #tpu.memory_space<hbm>>) target(%arg10 : memref<16x1024xf32, #tpu.memory_space<vmem>>) offsets(%dma_start3A_57 : memref<16xi32, #tpu.memory_space<vmem>>) semaphore(%arg17 : memref<!tpu.dma_semaphore, #tpu.memory_space<semaphore_mem>>)
    %dma_start3A_61 = arith.constant 80 : i32
    %dma_start3A_62 = tpu.memref_slice %arg5[%dma_start3A_61] : memref<128xi32, #tpu.memory_space<vmem>> -> memref<16xi32, #tpu.memory_space<vmem>>
    %dma_start3A_63 = arith.constant 0 : i32
    %dma_start3A_64 = arith.constant 0 : i32
    %dma_start3A_65 = tpu.memref_slice %arg2[%dma_start3A_63, %dma_start3A_64] : memref<100000x1024xf32, #tpu.memory_space<hbm>> -> memref<100000x1024xf32, #tpu.memory_space<hbm>>
    tpu.enqueue_indirect_dma source(%dma_start3A_65 : memref<100000x1024xf32, #tpu.memory_space<hbm>>) target(%arg11 : memref<16x1024xf32, #tpu.memory_space<vmem>>) offsets(%dma_start3A_62 : memref<16xi32, #tpu.memory_space<vmem>>) semaphore(%arg18 : memref<!tpu.dma_semaphore, #tpu.memory_space<semaphore_mem>>)
    %dma_wait3A = arith.constant 0 : i32
    %dma_wait3A_66 = tpu.memref_slice %arg5[%dma_wait3A] : memref<128xi32, #tpu.memory_space<vmem>> -> memref<16xi32, #tpu.memory_space<vmem>>
    %dma_wait3A_67 = arith.constant 0 : i32
    %dma_wait3A_68 = arith.constant 0 : i32
    %dma_wait3A_69 = tpu.memref_slice %arg2[%dma_wait3A_67, %dma_wait3A_68] : memref<100000x1024xf32, #tpu.memory_space<hbm>> -> memref<100000x1024xf32, #tpu.memory_space<hbm>>
    tpu.wait_indirect_dma semaphore(%arg13 : memref<!tpu.dma_semaphore, #tpu.memory_space<semaphore_mem>>) src(%dma_wait3A_69 : memref<100000x1024xf32, #tpu.memory_space<hbm>>) dst(%arg6 : memref<16x1024xf32, #tpu.memory_space<vmem>>)
    %add3A_70 = arith.constant 0 : i32
    %add3A_71 = arith.addi %mul3A_36, %add3A_70 : i32
    %dma_start3A_72 = arith.constant 0 : i32
    %dma_start3A_73 = tpu.memref_slice %arg4[%add3A_71, %dma_start3A_72] : memref<4096x1024xf32, #tpu.memory_space<hbm>> -> memref<16x1024xf32, #tpu.memory_space<hbm>>
    %dma_start3A_74 = arith.constant 0 : i32
    %dma_start3A_75 = tpu.memref_slice %arg4[%add3A_71, %dma_start3A_74] : memref<4096x1024xf32, #tpu.memory_space<hbm>> -> memref<16x1024xf32, #tpu.memory_space<hbm>>
    tpu.enqueue_dma source(%arg6 : memref<16x1024xf32, #tpu.memory_space<vmem>>) target(%dma_start3A_75 : memref<16x1024xf32, #tpu.memory_space<hbm>>) target_semaphore(%arg20 : memref<!tpu.dma_semaphore, #tpu.memory_space<semaphore_mem>>)
    %dma_start3A_76 = arith.constant 96 : i32
    %dma_start3A_77 = tpu.memref_slice %arg5[%dma_start3A_76] : memref<128xi32, #tpu.memory_space<vmem>> -> memref<16xi32, #tpu.memory_space<vmem>>
    %dma_start3A_78 = arith.constant 0 : i32
    %dma_start3A_79 = arith.constant 0 : i32
    %dma_start3A_80 = tpu.memref_slice %arg2[%dma_start3A_78, %dma_start3A_79] : memref<100000x1024xf32, #tpu.memory_space<hbm>> -> memref<100000x1024xf32, #tpu.memory_space<hbm>>
    tpu.enqueue_indirect_dma source(%dma_start3A_80 : memref<100000x1024xf32, #tpu.memory_space<hbm>>) target(%arg12 : memref<16x1024xf32, #tpu.memory_space<vmem>>) offsets(%dma_start3A_77 : memref<16xi32, #tpu.memory_space<vmem>>) semaphore(%arg19 : memref<!tpu.dma_semaphore, #tpu.memory_space<semaphore_mem>>)
    %dma_wait3A_81 = arith.constant 16 : i32
    %dma_wait3A_82 = tpu.memref_slice %arg5[%dma_wait3A_81] : memref<128xi32, #tpu.memory_space<vmem>> -> memref<16xi32, #tpu.memory_space<vmem>>
    %dma_wait3A_83 = arith.constant 0 : i32
    %dma_wait3A_84 = arith.constant 0 : i32
    %dma_wait3A_85 = tpu.memref_slice %arg2[%dma_wait3A_83, %dma_wait3A_84] : memref<100000x1024xf32, #tpu.memory_space<hbm>> -> memref<100000x1024xf32, #tpu.memory_space<hbm>>
    tpu.wait_indirect_dma semaphore(%arg14 : memref<!tpu.dma_semaphore, #tpu.memory_space<semaphore_mem>>) src(%dma_wait3A_85 : memref<100000x1024xf32, #tpu.memory_space<hbm>>) dst(%arg7 : memref<16x1024xf32, #tpu.memory_space<vmem>>)
    %add3A_86 = arith.constant 16 : i32
    %add3A_87 = arith.addi %mul3A_36, %add3A_86 : i32
    %dma_start3A_88 = arith.constant 0 : i32
    %dma_start3A_89 = tpu.memref_slice %arg4[%add3A_87, %dma_start3A_88] : memref<4096x1024xf32, #tpu.memory_space<hbm>> -> memref<16x1024xf32, #tpu.memory_space<hbm>>
    %dma_start3A_90 = arith.constant 0 : i32
    %dma_start3A_91 = tpu.memref_slice %arg4[%add3A_87, %dma_start3A_90] : memref<4096x1024xf32, #tpu.memory_space<hbm>> -> memref<16x1024xf32, #tpu.memory_space<hbm>>
    tpu.enqueue_dma source(%arg7 : memref<16x1024xf32, #tpu.memory_space<vmem>>) target(%dma_start3A_91 : memref<16x1024xf32, #tpu.memory_space<hbm>>) target_semaphore(%arg21 : memref<!tpu.dma_semaphore, #tpu.memory_space<semaphore_mem>>)
    %dma_wait3A_92 = arith.constant 0 : i32
    %dma_wait3A_93 = tpu.memref_slice %arg4[%add3A_71, %dma_wait3A_92] : memref<4096x1024xf32, #tpu.memory_space<hbm>> -> memref<16x1024xf32, #tpu.memory_space<hbm>>
    %dma_wait3A_94 = arith.constant 0 : i32
    %dma_wait3A_95 = tpu.memref_slice %arg4[%add3A_71, %dma_wait3A_94] : memref<4096x1024xf32, #tpu.memory_space<hbm>> -> memref<16x1024xf32, #tpu.memory_space<hbm>>
    tpu.wait_dma2 semaphore(%arg20 : memref<!tpu.dma_semaphore, #tpu.memory_space<semaphore_mem>>) src(%arg6 : memref<16x1024xf32, #tpu.memory_space<vmem>>) dst(%dma_wait3A_95 : memref<16x1024xf32, #tpu.memory_space<hbm>>)
    %dma_start3A_96 = arith.constant 112 : i32
    %dma_start3A_97 = tpu.memref_slice %arg5[%dma_start3A_96] : memref<128xi32, #tpu.memory_space<vmem>> -> memref<16xi32, #tpu.memory_space<vmem>>
    %dma_start3A_98 = arith.constant 0 : i32
    %dma_start3A_99 = arith.constant 0 : i32
    %dma_start3A_100 = tpu.memref_slice %arg2[%dma_start3A_98, %dma_start3A_99] : memref<100000x1024xf32, #tpu.memory_space<hbm>> -> memref<100000x1024xf32, #tpu.memory_space<hbm>>
    tpu.enqueue_indirect_dma source(%dma_start3A_100 : memref<100000x1024xf32, #tpu.memory_space<hbm>>) target(%arg6 : memref<16x1024xf32, #tpu.memory_space<vmem>>) offsets(%dma_start3A_97 : memref<16xi32, #tpu.memory_space<vmem>>) semaphore(%arg13 : memref<!tpu.dma_semaphore, #tpu.memory_space<semaphore_mem>>)
    %dma_wait3A_101 = arith.constant 32 : i32
    %dma_wait3A_102 = tpu.memref_slice %arg5[%dma_wait3A_101] : memref<128xi32, #tpu.memory_space<vmem>> -> memref<16xi32, #tpu.memory_space<vmem>>
    %dma_wait3A_103 = arith.constant 0 : i32
    %dma_wait3A_104 = arith.constant 0 : i32
    %dma_wait3A_105 = tpu.memref_slice %arg2[%dma_wait3A_103, %dma_wait3A_104] : memref<100000x1024xf32, #tpu.memory_space<hbm>> -> memref<100000x1024xf32, #tpu.memory_space<hbm>>
    tpu.wait_indirect_dma semaphore(%arg15 : memref<!tpu.dma_semaphore, #tpu.memory_space<semaphore_mem>>) src(%dma_wait3A_105 : memref<100000x1024xf32, #tpu.memory_space<hbm>>) dst(%arg8 : memref<16x1024xf32, #tpu.memory_space<vmem>>)
    %add3A_106 = arith.constant 32 : i32
    %add3A_107 = arith.addi %mul3A_36, %add3A_106 : i32
    %dma_start3A_108 = arith.constant 0 : i32
    %dma_start3A_109 = tpu.memref_slice %arg4[%add3A_107, %dma_start3A_108] : memref<4096x1024xf32, #tpu.memory_space<hbm>> -> memref<16x1024xf32, #tpu.memory_space<hbm>>
    %dma_start3A_110 = arith.constant 0 : i32
    %dma_start3A_111 = tpu.memref_slice %arg4[%add3A_107, %dma_start3A_110] : memref<4096x1024xf32, #tpu.memory_space<hbm>> -> memref<16x1024xf32, #tpu.memory_space<hbm>>
    tpu.enqueue_dma source(%arg8 : memref<16x1024xf32, #tpu.memory_space<vmem>>) target(%dma_start3A_111 : memref<16x1024xf32, #tpu.memory_space<hbm>>) target_semaphore(%arg22 : memref<!tpu.dma_semaphore, #tpu.memory_space<semaphore_mem>>)
    %dma_wait3A_112 = arith.constant 48 : i32
    %dma_wait3A_113 = tpu.memref_slice %arg5[%dma_wait3A_112] : memref<128xi32, #tpu.memory_space<vmem>> -> memref<16xi32, #tpu.memory_space<vmem>>
    %dma_wait3A_114 = arith.constant 0 : i32
    %dma_wait3A_115 = arith.constant 0 : i32
    %dma_wait3A_116 = tpu.memref_slice %arg2[%dma_wait3A_114, %dma_wait3A_115] : memref<100000x1024xf32, #tpu.memory_space<hbm>> -> memref<100000x1024xf32, #tpu.memory_space<hbm>>
    tpu.wait_indirect_dma semaphore(%arg16 : memref<!tpu.dma_semaphore, #tpu.memory_space<semaphore_mem>>) src(%dma_wait3A_116 : memref<100000x1024xf32, #tpu.memory_space<hbm>>) dst(%arg9 : memref<16x1024xf32, #tpu.memory_space<vmem>>)
    %add3A_117 = arith.constant 48 : i32
    %add3A_118 = arith.addi %mul3A_36, %add3A_117 : i32
    %dma_start3A_119 = arith.constant 0 : i32
    %dma_start3A_120 = tpu.memref_slice %arg4[%add3A_118, %dma_start3A_119] : memref<4096x1024xf32, #tpu.memory_space<hbm>> -> memref<16x1024xf32, #tpu.memory_space<hbm>>
    %dma_start3A_121 = arith.constant 0 : i32
    %dma_start3A_122 = tpu.memref_slice %arg4[%add3A_118, %dma_start3A_121] : memref<4096x1024xf32, #tpu.memory_space<hbm>> -> memref<16x1024xf32, #tpu.memory_space<hbm>>
    tpu.enqueue_dma source(%arg9 : memref<16x1024xf32, #tpu.memory_space<vmem>>) target(%dma_start3A_122 : memref<16x1024xf32, #tpu.memory_space<hbm>>) target_semaphore(%arg23 : memref<!tpu.dma_semaphore, #tpu.memory_space<semaphore_mem>>)
    %dma_wait3A_123 = arith.constant 64 : i32
    %dma_wait3A_124 = tpu.memref_slice %arg5[%dma_wait3A_123] : memref<128xi32, #tpu.memory_space<vmem>> -> memref<16xi32, #tpu.memory_space<vmem>>
    %dma_wait3A_125 = arith.constant 0 : i32
    %dma_wait3A_126 = arith.constant 0 : i32
    %dma_wait3A_127 = tpu.memref_slice %arg2[%dma_wait3A_125, %dma_wait3A_126] : memref<100000x1024xf32, #tpu.memory_space<hbm>> -> memref<100000x1024xf32, #tpu.memory_space<hbm>>
    tpu.wait_indirect_dma semaphore(%arg17 : memref<!tpu.dma_semaphore, #tpu.memory_space<semaphore_mem>>) src(%dma_wait3A_127 : memref<100000x1024xf32, #tpu.memory_space<hbm>>) dst(%arg10 : memref<16x1024xf32, #tpu.memory_space<vmem>>)
    %add3A_128 = arith.constant 64 : i32
    %add3A_129 = arith.addi %mul3A_36, %add3A_128 : i32
    %dma_start3A_130 = arith.constant 0 : i32
    %dma_start3A_131 = tpu.memref_slice %arg4[%add3A_129, %dma_start3A_130] : memref<4096x1024xf32, #tpu.memory_space<hbm>> -> memref<16x1024xf32, #tpu.memory_space<hbm>>
    %dma_start3A_132 = arith.constant 0 : i32
    %dma_start3A_133 = tpu.memref_slice %arg4[%add3A_129, %dma_start3A_132] : memref<4096x1024xf32, #tpu.memory_space<hbm>> -> memref<16x1024xf32, #tpu.memory_space<hbm>>
    tpu.enqueue_dma source(%arg10 : memref<16x1024xf32, #tpu.memory_space<vmem>>) target(%dma_start3A_133 : memref<16x1024xf32, #tpu.memory_space<hbm>>) target_semaphore(%arg24 : memref<!tpu.dma_semaphore, #tpu.memory_space<semaphore_mem>>)
    %dma_wait3A_134 = arith.constant 80 : i32
    %dma_wait3A_135 = tpu.memref_slice %arg5[%dma_wait3A_134] : memref<128xi32, #tpu.memory_space<vmem>> -> memref<16xi32, #tpu.memory_space<vmem>>
    %dma_wait3A_136 = arith.constant 0 : i32
    %dma_wait3A_137 = arith.constant 0 : i32
    %dma_wait3A_138 = tpu.memref_slice %arg2[%dma_wait3A_136, %dma_wait3A_137] : memref<100000x1024xf32, #tpu.memory_space<hbm>> -> memref<100000x1024xf32, #tpu.memory_space<hbm>>
    tpu.wait_indirect_dma semaphore(%arg18 : memref<!tpu.dma_semaphore, #tpu.memory_space<semaphore_mem>>) src(%dma_wait3A_138 : memref<100000x1024xf32, #tpu.memory_space<hbm>>) dst(%arg11 : memref<16x1024xf32, #tpu.memory_space<vmem>>)
    %add3A_139 = arith.constant 80 : i32
    %add3A_140 = arith.addi %mul3A_36, %add3A_139 : i32
    %dma_start3A_141 = arith.constant 0 : i32
    %dma_start3A_142 = tpu.memref_slice %arg4[%add3A_140, %dma_start3A_141] : memref<4096x1024xf32, #tpu.memory_space<hbm>> -> memref<16x1024xf32, #tpu.memory_space<hbm>>
    %dma_start3A_143 = arith.constant 0 : i32
    %dma_start3A_144 = tpu.memref_slice %arg4[%add3A_140, %dma_start3A_143] : memref<4096x1024xf32, #tpu.memory_space<hbm>> -> memref<16x1024xf32, #tpu.memory_space<hbm>>
    tpu.enqueue_dma source(%arg11 : memref<16x1024xf32, #tpu.memory_space<vmem>>) target(%dma_start3A_144 : memref<16x1024xf32, #tpu.memory_space<hbm>>) target_semaphore(%arg25 : memref<!tpu.dma_semaphore, #tpu.memory_space<semaphore_mem>>)
    %dma_wait3A_145 = arith.constant 96 : i32
    %dma_wait3A_146 = tpu.memref_slice %arg5[%dma_wait3A_145] : memref<128xi32, #tpu.memory_space<vmem>> -> memref<16xi32, #tpu.memory_space<vmem>>
    %dma_wait3A_147 = arith.constant 0 : i32
    %dma_wait3A_148 = arith.constant 0 : i32
    %dma_wait3A_149 = tpu.memref_slice %arg2[%dma_wait3A_147, %dma_wait3A_148] : memref<100000x1024xf32, #tpu.memory_space<hbm>> -> memref<100000x1024xf32, #tpu.memory_space<hbm>>
    tpu.wait_indirect_dma semaphore(%arg19 : memref<!tpu.dma_semaphore, #tpu.memory_space<semaphore_mem>>) src(%dma_wait3A_149 : memref<100000x1024xf32, #tpu.memory_space<hbm>>) dst(%arg12 : memref<16x1024xf32, #tpu.memory_space<vmem>>)
    %add3A_150 = arith.constant 96 : i32
    %add3A_151 = arith.addi %mul3A_36, %add3A_150 : i32
    %dma_start3A_152 = arith.constant 0 : i32
    %dma_start3A_153 = tpu.memref_slice %arg4[%add3A_151, %dma_start3A_152] : memref<4096x1024xf32, #tpu.memory_space<hbm>> -> memref<16x1024xf32, #tpu.memory_space<hbm>>
    %dma_start3A_154 = arith.constant 0 : i32
    %dma_start3A_155 = tpu.memref_slice %arg4[%add3A_151, %dma_start3A_154] : memref<4096x1024xf32, #tpu.memory_space<hbm>> -> memref<16x1024xf32, #tpu.memory_space<hbm>>
    tpu.enqueue_dma source(%arg12 : memref<16x1024xf32, #tpu.memory_space<vmem>>) target(%dma_start3A_155 : memref<16x1024xf32, #tpu.memory_space<hbm>>) target_semaphore(%arg26 : memref<!tpu.dma_semaphore, #tpu.memory_space<semaphore_mem>>)
    %dma_wait3A_156 = arith.constant 112 : i32
    %dma_wait3A_157 = tpu.memref_slice %arg5[%dma_wait3A_156] : memref<128xi32, #tpu.memory_space<vmem>> -> memref<16xi32, #tpu.memory_space<vmem>>
    %dma_wait3A_158 = arith.constant 0 : i32
    %dma_wait3A_159 = arith.constant 0 : i32
    %dma_wait3A_160 = tpu.memref_slice %arg2[%dma_wait3A_158, %dma_wait3A_159] : memref<100000x1024xf32, #tpu.memory_space<hbm>> -> memref<100000x1024xf32, #tpu.memory_space<hbm>>
    tpu.wait_indirect_dma semaphore(%arg13 : memref<!tpu.dma_semaphore, #tpu.memory_space<semaphore_mem>>) src(%dma_wait3A_160 : memref<100000x1024xf32, #tpu.memory_space<hbm>>) dst(%arg6 : memref<16x1024xf32, #tpu.memory_space<vmem>>)
    %add3A_161 = arith.constant 112 : i32
    %add3A_162 = arith.addi %mul3A_36, %add3A_161 : i32
    %dma_start3A_163 = arith.constant 0 : i32
    %dma_start3A_164 = tpu.memref_slice %arg4[%add3A_162, %dma_start3A_163] : memref<4096x1024xf32, #tpu.memory_space<hbm>> -> memref<16x1024xf32, #tpu.memory_space<hbm>>
    %dma_start3A_165 = arith.constant 0 : i32
    %dma_start3A_166 = tpu.memref_slice %arg4[%add3A_162, %dma_start3A_165] : memref<4096x1024xf32, #tpu.memory_space<hbm>> -> memref<16x1024xf32, #tpu.memory_space<hbm>>
    tpu.enqueue_dma source(%arg6 : memref<16x1024xf32, #tpu.memory_space<vmem>>) target(%dma_start3A_166 : memref<16x1024xf32, #tpu.memory_space<hbm>>) target_semaphore(%arg20 : memref<!tpu.dma_semaphore, #tpu.memory_space<semaphore_mem>>)
    %dma_wait3A_167 = arith.constant 0 : i32
    %dma_wait3A_168 = tpu.memref_slice %arg4[%add3A_87, %dma_wait3A_167] : memref<4096x1024xf32, #tpu.memory_space<hbm>> -> memref<16x1024xf32, #tpu.memory_space<hbm>>
    %dma_wait3A_169 = arith.constant 0 : i32
    %dma_wait3A_170 = tpu.memref_slice %arg4[%add3A_87, %dma_wait3A_169] : memref<4096x1024xf32, #tpu.memory_space<hbm>> -> memref<16x1024xf32, #tpu.memory_space<hbm>>
    tpu.wait_dma2 semaphore(%arg21 : memref<!tpu.dma_semaphore, #tpu.memory_space<semaphore_mem>>) src(%arg7 : memref<16x1024xf32, #tpu.memory_space<vmem>>) dst(%dma_wait3A_170 : memref<16x1024xf32, #tpu.memory_space<hbm>>)
    %dma_wait3A_171 = arith.constant 0 : i32
    %dma_wait3A_172 = tpu.memref_slice %arg4[%add3A_107, %dma_wait3A_171] : memref<4096x1024xf32, #tpu.memory_space<hbm>> -> memref<16x1024xf32, #tpu.memory_space<hbm>>
    %dma_wait3A_173 = arith.constant 0 : i32
    %dma_wait3A_174 = tpu.memref_slice %arg4[%add3A_107, %dma_wait3A_173] : memref<4096x1024xf32, #tpu.memory_space<hbm>> -> memref<16x1024xf32, #tpu.memory_space<hbm>>
    tpu.wait_dma2 semaphore(%arg22 : memref<!tpu.dma_semaphore, #tpu.memory_space<semaphore_mem>>) src(%arg8 : memref<16x1024xf32, #tpu.memory_space<vmem>>) dst(%dma_wait3A_174 : memref<16x1024xf32, #tpu.memory_space<hbm>>)
    %dma_wait3A_175 = arith.constant 0 : i32
    %dma_wait3A_176 = tpu.memref_slice %arg4[%add3A_118, %dma_wait3A_175] : memref<4096x1024xf32, #tpu.memory_space<hbm>> -> memref<16x1024xf32, #tpu.memory_space<hbm>>
    %dma_wait3A_177 = arith.constant 0 : i32
    %dma_wait3A_178 = tpu.memref_slice %arg4[%add3A_118, %dma_wait3A_177] : memref<4096x1024xf32, #tpu.memory_space<hbm>> -> memref<16x1024xf32, #tpu.memory_space<hbm>>
    tpu.wait_dma2 semaphore(%arg23 : memref<!tpu.dma_semaphore, #tpu.memory_space<semaphore_mem>>) src(%arg9 : memref<16x1024xf32, #tpu.memory_space<vmem>>) dst(%dma_wait3A_178 : memref<16x1024xf32, #tpu.memory_space<hbm>>)
    %dma_wait3A_179 = arith.constant 0 : i32
    %dma_wait3A_180 = tpu.memref_slice %arg4[%add3A_129, %dma_wait3A_179] : memref<4096x1024xf32, #tpu.memory_space<hbm>> -> memref<16x1024xf32, #tpu.memory_space<hbm>>
    %dma_wait3A_181 = arith.constant 0 : i32
    %dma_wait3A_182 = tpu.memref_slice %arg4[%add3A_129, %dma_wait3A_181] : memref<4096x1024xf32, #tpu.memory_space<hbm>> -> memref<16x1024xf32, #tpu.memory_space<hbm>>
    tpu.wait_dma2 semaphore(%arg24 : memref<!tpu.dma_semaphore, #tpu.memory_space<semaphore_mem>>) src(%arg10 : memref<16x1024xf32, #tpu.memory_space<vmem>>) dst(%dma_wait3A_182 : memref<16x1024xf32, #tpu.memory_space<hbm>>)
    %dma_wait3A_183 = arith.constant 0 : i32
    %dma_wait3A_184 = tpu.memref_slice %arg4[%add3A_140, %dma_wait3A_183] : memref<4096x1024xf32, #tpu.memory_space<hbm>> -> memref<16x1024xf32, #tpu.memory_space<hbm>>
    %dma_wait3A_185 = arith.constant 0 : i32
    %dma_wait3A_186 = tpu.memref_slice %arg4[%add3A_140, %dma_wait3A_185] : memref<4096x1024xf32, #tpu.memory_space<hbm>> -> memref<16x1024xf32, #tpu.memory_space<hbm>>
    tpu.wait_dma2 semaphore(%arg25 : memref<!tpu.dma_semaphore, #tpu.memory_space<semaphore_mem>>) src(%arg11 : memref<16x1024xf32, #tpu.memory_space<vmem>>) dst(%dma_wait3A_186 : memref<16x1024xf32, #tpu.memory_space<hbm>>)
    %dma_wait3A_187 = arith.constant 0 : i32
    %dma_wait3A_188 = tpu.memref_slice %arg4[%add3A_151, %dma_wait3A_187] : memref<4096x1024xf32, #tpu.memory_space<hbm>> -> memref<16x1024xf32, #tpu.memory_space<hbm>>
    %dma_wait3A_189 = arith.constant 0 : i32
    %dma_wait3A_190 = tpu.memref_slice %arg4[%add3A_151, %dma_wait3A_189] : memref<4096x1024xf32, #tpu.memory_space<hbm>> -> memref<16x1024xf32, #tpu.memory_space<hbm>>
    tpu.wait_dma2 semaphore(%arg26 : memref<!tpu.dma_semaphore, #tpu.memory_space<semaphore_mem>>) src(%arg12 : memref<16x1024xf32, #tpu.memory_space<vmem>>) dst(%dma_wait3A_190 : memref<16x1024xf32, #tpu.memory_space<hbm>>)
    %dma_wait3A_191 = arith.constant 0 : i32
    %dma_wait3A_192 = tpu.memref_slice %arg4[%add3A_162, %dma_wait3A_191] : memref<4096x1024xf32, #tpu.memory_space<hbm>> -> memref<16x1024xf32, #tpu.memory_space<hbm>>
    %dma_wait3A_193 = arith.constant 0 : i32
    %dma_wait3A_194 = tpu.memref_slice %arg4[%add3A_162, %dma_wait3A_193] : memref<4096x1024xf32, #tpu.memory_space<hbm>> -> memref<16x1024xf32, #tpu.memory_space<hbm>>
    tpu.wait_dma2 semaphore(%arg20 : memref<!tpu.dma_semaphore, #tpu.memory_space<semaphore_mem>>) src(%arg6 : memref<16x1024xf32, #tpu.memory_space<vmem>>) dst(%dma_wait3A_194 : memref<16x1024xf32, #tpu.memory_space<hbm>>)
    return
  }
}

#map = affine_map<(d0, d1) -> (0, 0)>
module attributes {stable_mosaic.version = 14 : i64} {
  func.func @gather_kernel(%arg0: i32, %arg1: i32, %arg2: memref<100000x1024xf32, #tpu.memory_space<hbm>>, %arg3: memref<4x2048xi32, #tpu.memory_space<hbm>>, %arg4: memref<4096x1024xf32, #tpu.memory_space<hbm>>, %arg5: memref<128xi32, #tpu.memory_space<vmem>>, %arg6: memref<16x1024xf32, #tpu.memory_space<vmem>>, %arg7: memref<16x1024xf32, #tpu.memory_space<vmem>>, %arg8: memref<16x1024xf32, #tpu.memory_space<vmem>>, %arg9: memref<16x1024xf32, #tpu.memory_space<vmem>>, %arg10: memref<16x1024xf32, #tpu.memory_space<vmem>>, %arg11: memref<16x1024xf32, #tpu.memory_space<vmem>>, %arg12: memref<16x1024xf32, #tpu.memory_space<vmem>>, %arg13: memref<!tpu.dma_semaphore, #tpu.memory_space<semaphore_mem>>, %arg14: memref<!tpu.dma_semaphore, #tpu.memory_space<semaphore_mem>>, %arg15: memref<!tpu.dma_semaphore, #tpu.memory_space<semaphore_mem>>, %arg16: memref<!tpu.dma_semaphore, #tpu.memory_space<semaphore_mem>>, %arg17: memref<!tpu.dma_semaphore, #tpu.memory_space<semaphore_mem>>, %arg18: memref<!tpu.dma_semaphore, #tpu.memory_space<semaphore_mem>>, %arg19: memref<!tpu.dma_semaphore, #tpu.memory_space<semaphore_mem>>, %arg20: memref<!tpu.dma_semaphore, #tpu.memory_space<semaphore_mem>>, %arg21: memref<!tpu.dma_semaphore, #tpu.memory_space<semaphore_mem>>, %arg22: memref<!tpu.dma_semaphore, #tpu.memory_space<semaphore_mem>>, %arg23: memref<!tpu.dma_semaphore, #tpu.memory_space<semaphore_mem>>, %arg24: memref<!tpu.dma_semaphore, #tpu.memory_space<semaphore_mem>>, %arg25: memref<!tpu.dma_semaphore, #tpu.memory_space<semaphore_mem>>, %arg26: memref<!tpu.dma_semaphore, #tpu.memory_space<semaphore_mem>>) attributes {dimension_semantics = [#tpu.dimension_semantics<core_parallel>, #tpu.dimension_semantics<subcore_parallel>], iteration_bounds = array<i64: 2, 16>, scalar_prefetch = 0 : i64, scratch_operands = 22 : i64, tpu.core_type = #tpu.core_type<sc_vector_subcore>, window_params = [{transform_indices = #map}, {transform_indices = #map}, {transform_indices = #map}]} {
    %mul3A = arith.constant 2 : i32
    %mul3A_0 = arith.muli %arg1, %mul3A : i32
    %add3A = arith.addi %mul3A_0, %arg0 : i32
    %jit3A = arith.constant 8 : i32
    %div3A = arith.divsi %add3A, %jit3A : i32
    %sign3A = arith.constant 0 : i32
    %sign3A_1 = arith.cmpi sgt, %add3A, %sign3A : i32
    %sign3A_2 = arith.extui %sign3A_1 : i1 to i32
    %sign3A_3 = arith.constant 0 : i32
    %sign3A_4 = arith.cmpi slt, %add3A, %sign3A_3 : i32
    %sign3A_5 = arith.extui %sign3A_4 : i1 to i32
    %sign3A_6 = arith.subi %sign3A_2, %sign3A_5 : i32
    %sign3A_7 = arith.constant 0 : i32
    %sign3A_8 = arith.cmpi sgt, %jit3A, %sign3A_7 : i32
    %sign3A_9 = arith.extui %sign3A_8 : i1 to i32
    %sign3A_10 = arith.constant 0 : i32
    %sign3A_11 = arith.cmpi slt, %jit3A, %sign3A_10 : i32
    %sign3A_12 = arith.extui %sign3A_11 : i1 to i32
    %sign3A_13 = arith.subi %sign3A_9, %sign3A_12 : i32
    %ne3A = arith.cmpi ne, %sign3A_6, %sign3A_13 : i32
    %rem3A = arith.remsi %add3A, %jit3A : i32
    %ne3A_14 = arith.constant 0 : i32
    %ne3A_15 = arith.cmpi ne, %rem3A, %ne3A_14 : i32
    %and3A = arith.andi %ne3A, %ne3A_15 : i1
    %sub3A = arith.constant 1 : i32
    %sub3A_16 = arith.subi %div3A, %sub3A : i32
    %select_n3A = arith.select %and3A, %sub3A_16, %div3A : i32
    %jit3A_17 = arith.constant 8 : i32
    %eq3A = arith.constant 0 : i32
    %eq3A_18 = arith.cmpi eq, %jit3A_17, %eq3A : i32
    %jit3A_19 = arith.constant 1 : i32
    %select_n3A_20 = arith.select %eq3A_18, %jit3A_19, %jit3A_17 : i32
    %rem3A_21 = arith.remsi %add3A, %select_n3A_20 : i32
    %ne3A_22 = arith.constant 0 : i32
    %ne3A_23 = arith.cmpi ne, %rem3A_21, %ne3A_22 : i32
    %lt3A = arith.constant 0 : i32
    %lt3A_24 = arith.cmpi slt, %rem3A_21, %lt3A : i32
    %lt3A_25 = arith.constant 0 : i32
    %lt3A_26 = arith.cmpi slt, %select_n3A_20, %lt3A_25 : i32
    %ne3A_27 = arith.xori %lt3A_24, %lt3A_26 : i1
    %and3A_28 = arith.andi %ne3A_27, %ne3A_23 : i1
    %add3A_29 = arith.addi %rem3A_21, %select_n3A_20 : i32
    %select_n3A_30 = arith.select %and3A_28, %add3A_29, %rem3A_21 : i32
    %mul3A_31 = arith.constant 128 : i32
    %mul3A_32 = arith.muli %select_n3A_30, %mul3A_31 : i32
    %add3A_33 = arith.constant 0 : i32
    %add3A_34 = arith.addi %add3A_33, %mul3A_32 : i32
    %mul3A_35 = arith.constant 128 : i32
    %mul3A_36 = arith.muli %add3A, %mul3A_35 : i32
    "tpu.region"() ({
      %run_scoped3A = tpu.sem_alloc : memref<!tpu.dma_semaphore, #tpu.memory_space<semaphore_mem>>
      %dma_start3A_195 = tpu.memref_slice %arg3[%select_n3A, %add3A_34] : memref<4x2048xi32, #tpu.memory_space<hbm>> -> memref<1x128xi32, #tpu.memory_space<hbm>>
      %dma_start3A_196 = tpu.memref_squeeze %dma_start3A_195 : memref<1x128xi32, #tpu.memory_space<hbm>> -> memref<128xi32, #tpu.memory_space<hbm>>
      %dma_start3A_197 = tpu.memref_slice %arg3[%select_n3A, %add3A_34] : memref<4x2048xi32, #tpu.memory_space<hbm>> -> memref<1x128xi32, #tpu.memory_space<hbm>>
      %dma_start3A_198 = tpu.memref_squeeze %dma_start3A_197 : memref<1x128xi32, #tpu.memory_space<hbm>> -> memref<128xi32, #tpu.memory_space<hbm>>
      tpu.enqueue_dma source(%dma_start3A_198 : memref<128xi32, #tpu.memory_space<hbm>>) target(%arg5 : memref<128xi32, #tpu.memory_space<vmem>>) target_semaphore(%run_scoped3A : memref<!tpu.dma_semaphore, #tpu.memory_space<semaphore_mem>>)
      %dma_wait3A_199 = tpu.memref_slice %arg3[%select_n3A, %add3A_34] : memref<4x2048xi32, #tpu.memory_space<hbm>> -> memref<1x128xi32, #tpu.memory_space<hbm>>
      %dma_wait3A_200 = tpu.memref_squeeze %dma_wait3A_199 : memref<1x128xi32, #tpu.memory_space<hbm>> -> memref<128xi32, #tpu.memory_space<hbm>>
      %dma_wait3A_201 = tpu.memref_slice %arg3[%select_n3A, %add3A_34] : memref<4x2048xi32, #tpu.memory_space<hbm>> -> memref<1x128xi32, #tpu.memory_space<hbm>>
      %dma_wait3A_202 = tpu.memref_squeeze %dma_wait3A_201 : memref<1x128xi32, #tpu.memory_space<hbm>> -> memref<128xi32, #tpu.memory_space<hbm>>
      tpu.wait_dma2 semaphore(%run_scoped3A : memref<!tpu.dma_semaphore, #tpu.memory_space<semaphore_mem>>) src(%dma_wait3A_202 : memref<128xi32, #tpu.memory_space<hbm>>) dst(%arg5 : memref<128xi32, #tpu.memory_space<vmem>>)
      tpu.yield
    }) : () -> ()
    %dma_start3A = arith.constant 0 : i32
    %dma_start3A_37 = tpu.memref_slice %arg5[%dma_start3A] : memref<128xi32, #tpu.memory_space<vmem>> -> memref<16xi32, #tpu.memory_space<vmem>>
    %dma_start3A_38 = arith.constant 0 : i32
    %dma_start3A_39 = arith.constant 0 : i32
    %dma_start3A_40 = tpu.memref_slice %arg2[%dma_start3A_38, %dma_start3A_39] : memref<100000x1024xf32, #tpu.memory_space<hbm>> -> memref<100000x1024xf32, #tpu.memory_space<hbm>>
    tpu.enqueue_indirect_dma source(%dma_start3A_40 : memref<100000x1024xf32, #tpu.memory_space<hbm>>) target(%arg6 : memref<16x1024xf32, #tpu.memory_space<vmem>>) offsets(%dma_start3A_37 : memref<16xi32, #tpu.memory_space<vmem>>) semaphore(%arg13 : memref<!tpu.dma_semaphore, #tpu.memory_space<semaphore_mem>>)
    %dma_start3A_41 = arith.constant 16 : i32
    %dma_start3A_42 = tpu.memref_slice %arg5[%dma_start3A_41] : memref<128xi32, #tpu.memory_space<vmem>> -> memref<16xi32, #tpu.memory_space<vmem>>
    %dma_start3A_43 = arith.constant 0 : i32
    %dma_start3A_44 = arith.constant 0 : i32
    %dma_start3A_45 = tpu.memref_slice %arg2[%dma_start3A_43, %dma_start3A_44] : memref<100000x1024xf32, #tpu.memory_space<hbm>> -> memref<100000x1024xf32, #tpu.memory_space<hbm>>
    tpu.enqueue_indirect_dma source(%dma_start3A_45 : memref<100000x1024xf32, #tpu.memory_space<hbm>>) target(%arg7 : memref<16x1024xf32, #tpu.memory_space<vmem>>) offsets(%dma_start3A_42 : memref<16xi32, #tpu.memory_space<vmem>>) semaphore(%arg14 : memref<!tpu.dma_semaphore, #tpu.memory_space<semaphore_mem>>)
    %dma_start3A_46 = arith.constant 32 : i32
    %dma_start3A_47 = tpu.memref_slice %arg5[%dma_start3A_46] : memref<128xi32, #tpu.memory_space<vmem>> -> memref<16xi32, #tpu.memory_space<vmem>>
    %dma_start3A_48 = arith.constant 0 : i32
    %dma_start3A_49 = arith.constant 0 : i32
    %dma_start3A_50 = tpu.memref_slice %arg2[%dma_start3A_48, %dma_start3A_49] : memref<100000x1024xf32, #tpu.memory_space<hbm>> -> memref<100000x1024xf32, #tpu.memory_space<hbm>>
    tpu.enqueue_indirect_dma source(%dma_start3A_50 : memref<100000x1024xf32, #tpu.memory_space<hbm>>) target(%arg8 : memref<16x1024xf32, #tpu.memory_space<vmem>>) offsets(%dma_start3A_47 : memref<16xi32, #tpu.memory_space<vmem>>) semaphore(%arg15 : memref<!tpu.dma_semaphore, #tpu.memory_space<semaphore_mem>>)
    %dma_start3A_51 = arith.constant 48 : i32
    %dma_start3A_52 = tpu.memref_slice %arg5[%dma_start3A_51] : memref<128xi32, #tpu.memory_space<vmem>> -> memref<16xi32, #tpu.memory_space<vmem>>
    %dma_start3A_53 = arith.constant 0 : i32
    %dma_start3A_54 = arith.constant 0 : i32
    %dma_start3A_55 = tpu.memref_slice %arg2[%dma_start3A_53, %dma_start3A_54] : memref<100000x1024xf32, #tpu.memory_space<hbm>> -> memref<100000x1024xf32, #tpu.memory_space<hbm>>
    tpu.enqueue_indirect_dma source(%dma_start3A_55 : memref<100000x1024xf32, #tpu.memory_space<hbm>>) target(%arg9 : memref<16x1024xf32, #tpu.memory_space<vmem>>) offsets(%dma_start3A_52 : memref<16xi32, #tpu.memory_space<vmem>>) semaphore(%arg16 : memref<!tpu.dma_semaphore, #tpu.memory_space<semaphore_mem>>)
    %dma_start3A_56 = arith.constant 64 : i32
    %dma_start3A_57 = tpu.memref_slice %arg5[%dma_start3A_56] : memref<128xi32, #tpu.memory_space<vmem>> -> memref<16xi32, #tpu.memory_space<vmem>>
    %dma_start3A_58 = arith.constant 0 : i32
    %dma_start3A_59 = arith.constant 0 : i32
    %dma_start3A_60 = tpu.memref_slice %arg2[%dma_start3A_58, %dma_start3A_59] : memref<100000x1024xf32, #tpu.memory_space<hbm>> -> memref<100000x1024xf32, #tpu.memory_space<hbm>>
    tpu.enqueue_indirect_dma source(%dma_start3A_60 : memref<100000x1024xf32, #tpu.memory_space<hbm>>) target(%arg10 : memref<16x1024xf32, #tpu.memory_space<vmem>>) offsets(%dma_start3A_57 : memref<16xi32, #tpu.memory_space<vmem>>) semaphore(%arg17 : memref<!tpu.dma_semaphore, #tpu.memory_space<semaphore_mem>>)
    %dma_start3A_61 = arith.constant 80 : i32
    %dma_start3A_62 = tpu.memref_slice %arg5[%dma_start3A_61] : memref<128xi32, #tpu.memory_space<vmem>> -> memref<16xi32, #tpu.memory_space<vmem>>
    %dma_start3A_63 = arith.constant 0 : i32
    %dma_start3A_64 = arith.constant 0 : i32
    %dma_start3A_65 = tpu.memref_slice %arg2[%dma_start3A_63, %dma_start3A_64] : memref<100000x1024xf32, #tpu.memory_space<hbm>> -> memref<100000x1024xf32, #tpu.memory_space<hbm>>
    tpu.enqueue_indirect_dma source(%dma_start3A_65 : memref<100000x1024xf32, #tpu.memory_space<hbm>>) target(%arg11 : memref<16x1024xf32, #tpu.memory_space<vmem>>) offsets(%dma_start3A_62 : memref<16xi32, #tpu.memory_space<vmem>>) semaphore(%arg18 : memref<!tpu.dma_semaphore, #tpu.memory_space<semaphore_mem>>)
    %dma_wait3A = arith.constant 0 : i32
    %dma_wait3A_66 = tpu.memref_slice %arg5[%dma_wait3A] : memref<128xi32, #tpu.memory_space<vmem>> -> memref<16xi32, #tpu.memory_space<vmem>>
    %dma_wait3A_67 = arith.constant 0 : i32
    %dma_wait3A_68 = arith.constant 0 : i32
    %dma_wait3A_69 = tpu.memref_slice %arg2[%dma_wait3A_67, %dma_wait3A_68] : memref<100000x1024xf32, #tpu.memory_space<hbm>> -> memref<100000x1024xf32, #tpu.memory_space<hbm>>
    tpu.wait_indirect_dma semaphore(%arg13 : memref<!tpu.dma_semaphore, #tpu.memory_space<semaphore_mem>>) src(%dma_wait3A_69 : memref<100000x1024xf32, #tpu.memory_space<hbm>>) dst(%arg6 : memref<16x1024xf32, #tpu.memory_space<vmem>>)
    %add3A_70 = arith.constant 0 : i32
    %add3A_71 = arith.addi %mul3A_36, %add3A_70 : i32
    %dma_start3A_72 = arith.constant 0 : i32
    %dma_start3A_73 = tpu.memref_slice %arg4[%add3A_71, %dma_start3A_72] : memref<4096x1024xf32, #tpu.memory_space<hbm>> -> memref<16x1024xf32, #tpu.memory_space<hbm>>
    %dma_start3A_74 = arith.constant 0 : i32
    %dma_start3A_75 = tpu.memref_slice %arg4[%add3A_71, %dma_start3A_74] : memref<4096x1024xf32, #tpu.memory_space<hbm>> -> memref<16x1024xf32, #tpu.memory_space<hbm>>
    tpu.enqueue_dma source(%arg6 : memref<16x1024xf32, #tpu.memory_space<vmem>>) target(%dma_start3A_75 : memref<16x1024xf32, #tpu.memory_space<hbm>>) target_semaphore(%arg20 : memref<!tpu.dma_semaphore, #tpu.memory_space<semaphore_mem>>)
    %dma_start3A_76 = arith.constant 96 : i32
    %dma_start3A_77 = tpu.memref_slice %arg5[%dma_start3A_76] : memref<128xi32, #tpu.memory_space<vmem>> -> memref<16xi32, #tpu.memory_space<vmem>>
    %dma_start3A_78 = arith.constant 0 : i32
    %dma_start3A_79 = arith.constant 0 : i32
    %dma_start3A_80 = tpu.memref_slice %arg2[%dma_start3A_78, %dma_start3A_79] : memref<100000x1024xf32, #tpu.memory_space<hbm>> -> memref<100000x1024xf32, #tpu.memory_space<hbm>>
    tpu.enqueue_indirect_dma source(%dma_start3A_80 : memref<100000x1024xf32, #tpu.memory_space<hbm>>) target(%arg12 : memref<16x1024xf32, #tpu.memory_space<vmem>>) offsets(%dma_start3A_77 : memref<16xi32, #tpu.memory_space<vmem>>) semaphore(%arg19 : memref<!tpu.dma_semaphore, #tpu.memory_space<semaphore_mem>>)
    %dma_wait3A_81 = arith.constant 16 : i32
    %dma_wait3A_82 = tpu.memref_slice %arg5[%dma_wait3A_81] : memref<128xi32, #tpu.memory_space<vmem>> -> memref<16xi32, #tpu.memory_space<vmem>>
    %dma_wait3A_83 = arith.constant 0 : i32
    %dma_wait3A_84 = arith.constant 0 : i32
    %dma_wait3A_85 = tpu.memref_slice %arg2[%dma_wait3A_83, %dma_wait3A_84] : memref<100000x1024xf32, #tpu.memory_space<hbm>> -> memref<100000x1024xf32, #tpu.memory_space<hbm>>
    tpu.wait_indirect_dma semaphore(%arg14 : memref<!tpu.dma_semaphore, #tpu.memory_space<semaphore_mem>>) src(%dma_wait3A_85 : memref<100000x1024xf32, #tpu.memory_space<hbm>>) dst(%arg7 : memref<16x1024xf32, #tpu.memory_space<vmem>>)
    %add3A_86 = arith.constant 16 : i32
    %add3A_87 = arith.addi %mul3A_36, %add3A_86 : i32
    %dma_start3A_88 = arith.constant 0 : i32
    %dma_start3A_89 = tpu.memref_slice %arg4[%add3A_87, %dma_start3A_88] : memref<4096x1024xf32, #tpu.memory_space<hbm>> -> memref<16x1024xf32, #tpu.memory_space<hbm>>
    %dma_start3A_90 = arith.constant 0 : i32
    %dma_start3A_91 = tpu.memref_slice %arg4[%add3A_87, %dma_start3A_90] : memref<4096x1024xf32, #tpu.memory_space<hbm>> -> memref<16x1024xf32, #tpu.memory_space<hbm>>
    tpu.enqueue_dma source(%arg7 : memref<16x1024xf32, #tpu.memory_space<vmem>>) target(%dma_start3A_91 : memref<16x1024xf32, #tpu.memory_space<hbm>>) target_semaphore(%arg21 : memref<!tpu.dma_semaphore, #tpu.memory_space<semaphore_mem>>)
    %dma_wait3A_92 = arith.constant 0 : i32
    %dma_wait3A_93 = tpu.memref_slice %arg4[%add3A_71, %dma_wait3A_92] : memref<4096x1024xf32, #tpu.memory_space<hbm>> -> memref<16x1024xf32, #tpu.memory_space<hbm>>
    %dma_wait3A_94 = arith.constant 0 : i32
    %dma_wait3A_95 = tpu.memref_slice %arg4[%add3A_71, %dma_wait3A_94] : memref<4096x1024xf32, #tpu.memory_space<hbm>> -> memref<16x1024xf32, #tpu.memory_space<hbm>>
    tpu.wait_dma2 semaphore(%arg20 : memref<!tpu.dma_semaphore, #tpu.memory_space<semaphore_mem>>) src(%arg6 : memref<16x1024xf32, #tpu.memory_space<vmem>>) dst(%dma_wait3A_95 : memref<16x1024xf32, #tpu.memory_space<hbm>>)
    %dma_start3A_96 = arith.constant 112 : i32
    %dma_start3A_97 = tpu.memref_slice %arg5[%dma_start3A_96] : memref<128xi32, #tpu.memory_space<vmem>> -> memref<16xi32, #tpu.memory_space<vmem>>
    %dma_start3A_98 = arith.constant 0 : i32
    %dma_start3A_99 = arith.constant 0 : i32
    %dma_start3A_100 = tpu.memref_slice %arg2[%dma_start3A_98, %dma_start3A_99] : memref<100000x1024xf32, #tpu.memory_space<hbm>> -> memref<100000x1024xf32, #tpu.memory_space<hbm>>
    tpu.enqueue_indirect_dma source(%dma_start3A_100 : memref<100000x1024xf32, #tpu.memory_space<hbm>>) target(%arg6 : memref<16x1024xf32, #tpu.memory_space<vmem>>) offsets(%dma_start3A_97 : memref<16xi32, #tpu.memory_space<vmem>>) semaphore(%arg13 : memref<!tpu.dma_semaphore, #tpu.memory_space<semaphore_mem>>)
    %dma_wait3A_101 = arith.constant 32 : i32
    %dma_wait3A_102 = tpu.memref_slice %arg5[%dma_wait3A_101] : memref<128xi32, #tpu.memory_space<vmem>> -> memref<16xi32, #tpu.memory_space<vmem>>
    %dma_wait3A_103 = arith.constant 0 : i32
    %dma_wait3A_104 = arith.constant 0 : i32
    %dma_wait3A_105 = tpu.memref_slice %arg2[%dma_wait3A_103, %dma_wait3A_104] : memref<100000x1024xf32, #tpu.memory_space<hbm>> -> memref<100000x1024xf32, #tpu.memory_space<hbm>>
    tpu.wait_indirect_dma semaphore(%arg15 : memref<!tpu.dma_semaphore, #tpu.memory_space<semaphore_mem>>) src(%dma_wait3A_105 : memref<100000x1024xf32, #tpu.memory_space<hbm>>) dst(%arg8 : memref<16x1024xf32, #tpu.memory_space<vmem>>)
    %add3A_106 = arith.constant 32 : i32
    %add3A_107 = arith.addi %mul3A_36, %add3A_106 : i32
    %dma_start3A_108 = arith.constant 0 : i32
    %dma_start3A_109 = tpu.memref_slice %arg4[%add3A_107, %dma_start3A_108] : memref<4096x1024xf32, #tpu.memory_space<hbm>> -> memref<16x1024xf32, #tpu.memory_space<hbm>>
    %dma_start3A_110 = arith.constant 0 : i32
    %dma_start3A_111 = tpu.memref_slice %arg4[%add3A_107, %dma_start3A_110] : memref<4096x1024xf32, #tpu.memory_space<hbm>> -> memref<16x1024xf32, #tpu.memory_space<hbm>>
    tpu.enqueue_dma source(%arg8 : memref<16x1024xf32, #tpu.memory_space<vmem>>) target(%dma_start3A_111 : memref<16x1024xf32, #tpu.memory_space<hbm>>) target_semaphore(%arg22 : memref<!tpu.dma_semaphore, #tpu.memory_space<semaphore_mem>>)
    %dma_wait3A_112 = arith.constant 48 : i32
    %dma_wait3A_113 = tpu.memref_slice %arg5[%dma_wait3A_112] : memref<128xi32, #tpu.memory_space<vmem>> -> memref<16xi32, #tpu.memory_space<vmem>>
    %dma_wait3A_114 = arith.constant 0 : i32
    %dma_wait3A_115 = arith.constant 0 : i32
    %dma_wait3A_116 = tpu.memref_slice %arg2[%dma_wait3A_114, %dma_wait3A_115] : memref<100000x1024xf32, #tpu.memory_space<hbm>> -> memref<100000x1024xf32, #tpu.memory_space<hbm>>
    tpu.wait_indirect_dma semaphore(%arg16 : memref<!tpu.dma_semaphore, #tpu.memory_space<semaphore_mem>>) src(%dma_wait3A_116 : memref<100000x1024xf32, #tpu.memory_space<hbm>>) dst(%arg9 : memref<16x1024xf32, #tpu.memory_space<vmem>>)
    %add3A_117 = arith.constant 48 : i32
    %add3A_118 = arith.addi %mul3A_36, %add3A_117 : i32
    %dma_start3A_119 = arith.constant 0 : i32
    %dma_start3A_120 = tpu.memref_slice %arg4[%add3A_118, %dma_start3A_119] : memref<4096x1024xf32, #tpu.memory_space<hbm>> -> memref<16x1024xf32, #tpu.memory_space<hbm>>
    %dma_start3A_121 = arith.constant 0 : i32
    %dma_start3A_122 = tpu.memref_slice %arg4[%add3A_118, %dma_start3A_121] : memref<4096x1024xf32, #tpu.memory_space<hbm>> -> memref<16x1024xf32, #tpu.memory_space<hbm>>
    tpu.enqueue_dma source(%arg9 : memref<16x1024xf32, #tpu.memory_space<vmem>>) target(%dma_start3A_122 : memref<16x1024xf32, #tpu.memory_space<hbm>>) target_semaphore(%arg23 : memref<!tpu.dma_semaphore, #tpu.memory_space<semaphore_mem>>)
    %dma_wait3A_123 = arith.constant 64 : i32
    %dma_wait3A_124 = tpu.memref_slice %arg5[%dma_wait3A_123] : memref<128xi32, #tpu.memory_space<vmem>> -> memref<16xi32, #tpu.memory_space<vmem>>
    %dma_wait3A_125 = arith.constant 0 : i32
    %dma_wait3A_126 = arith.constant 0 : i32
    %dma_wait3A_127 = tpu.memref_slice %arg2[%dma_wait3A_125, %dma_wait3A_126] : memref<100000x1024xf32, #tpu.memory_space<hbm>> -> memref<100000x1024xf32, #tpu.memory_space<hbm>>
    tpu.wait_indirect_dma semaphore(%arg17 : memref<!tpu.dma_semaphore, #tpu.memory_space<semaphore_mem>>) src(%dma_wait3A_127 : memref<100000x1024xf32, #tpu.memory_space<hbm>>) dst(%arg10 : memref<16x1024xf32, #tpu.memory_space<vmem>>)
    %add3A_128 = arith.constant 64 : i32
    %add3A_129 = arith.addi %mul3A_36, %add3A_128 : i32
    %dma_start3A_130 = arith.constant 0 : i32
    %dma_start3A_131 = tpu.memref_slice %arg4[%add3A_129, %dma_start3A_130] : memref<4096x1024xf32, #tpu.memory_space<hbm>> -> memref<16x1024xf32, #tpu.memory_space<hbm>>
    %dma_start3A_132 = arith.constant 0 : i32
    %dma_start3A_133 = tpu.memref_slice %arg4[%add3A_129, %dma_start3A_132] : memref<4096x1024xf32, #tpu.memory_space<hbm>> -> memref<16x1024xf32, #tpu.memory_space<hbm>>
    tpu.enqueue_dma source(%arg10 : memref<16x1024xf32, #tpu.memory_space<vmem>>) target(%dma_start3A_133 : memref<16x1024xf32, #tpu.memory_space<hbm>>) target_semaphore(%arg24 : memref<!tpu.dma_semaphore, #tpu.memory_space<semaphore_mem>>)
    %dma_wait3A_134 = arith.constant 80 : i32
    %dma_wait3A_135 = tpu.memref_slice %arg5[%dma_wait3A_134] : memref<128xi32, #tpu.memory_space<vmem>> -> memref<16xi32, #tpu.memory_space<vmem>>
    %dma_wait3A_136 = arith.constant 0 : i32
    %dma_wait3A_137 = arith.constant 0 : i32
    %dma_wait3A_138 = tpu.memref_slice %arg2[%dma_wait3A_136, %dma_wait3A_137] : memref<100000x1024xf32, #tpu.memory_space<hbm>> -> memref<100000x1024xf32, #tpu.memory_space<hbm>>
    tpu.wait_indirect_dma semaphore(%arg18 : memref<!tpu.dma_semaphore, #tpu.memory_space<semaphore_mem>>) src(%dma_wait3A_138 : memref<100000x1024xf32, #tpu.memory_space<hbm>>) dst(%arg11 : memref<16x1024xf32, #tpu.memory_space<vmem>>)
    %add3A_139 = arith.constant 80 : i32
    %add3A_140 = arith.addi %mul3A_36, %add3A_139 : i32
    %dma_start3A_141 = arith.constant 0 : i32
    %dma_start3A_142 = tpu.memref_slice %arg4[%add3A_140, %dma_start3A_141] : memref<4096x1024xf32, #tpu.memory_space<hbm>> -> memref<16x1024xf32, #tpu.memory_space<hbm>>
    %dma_start3A_143 = arith.constant 0 : i32
    %dma_start3A_144 = tpu.memref_slice %arg4[%add3A_140, %dma_start3A_143] : memref<4096x1024xf32, #tpu.memory_space<hbm>> -> memref<16x1024xf32, #tpu.memory_space<hbm>>
    tpu.enqueue_dma source(%arg11 : memref<16x1024xf32, #tpu.memory_space<vmem>>) target(%dma_start3A_144 : memref<16x1024xf32, #tpu.memory_space<hbm>>) target_semaphore(%arg25 : memref<!tpu.dma_semaphore, #tpu.memory_space<semaphore_mem>>)
    %dma_wait3A_145 = arith.constant 96 : i32
    %dma_wait3A_146 = tpu.memref_slice %arg5[%dma_wait3A_145] : memref<128xi32, #tpu.memory_space<vmem>> -> memref<16xi32, #tpu.memory_space<vmem>>
    %dma_wait3A_147 = arith.constant 0 : i32
    %dma_wait3A_148 = arith.constant 0 : i32
    %dma_wait3A_149 = tpu.memref_slice %arg2[%dma_wait3A_147, %dma_wait3A_148] : memref<100000x1024xf32, #tpu.memory_space<hbm>> -> memref<100000x1024xf32, #tpu.memory_space<hbm>>
    tpu.wait_indirect_dma semaphore(%arg19 : memref<!tpu.dma_semaphore, #tpu.memory_space<semaphore_mem>>) src(%dma_wait3A_149 : memref<100000x1024xf32, #tpu.memory_space<hbm>>) dst(%arg12 : memref<16x1024xf32, #tpu.memory_space<vmem>>)
    %add3A_150 = arith.constant 96 : i32
    %add3A_151 = arith.addi %mul3A_36, %add3A_150 : i32
    %dma_start3A_152 = arith.constant 0 : i32
    %dma_start3A_153 = tpu.memref_slice %arg4[%add3A_151, %dma_start3A_152] : memref<4096x1024xf32, #tpu.memory_space<hbm>> -> memref<16x1024xf32, #tpu.memory_space<hbm>>
    %dma_start3A_154 = arith.constant 0 : i32
    %dma_start3A_155 = tpu.memref_slice %arg4[%add3A_151, %dma_start3A_154] : memref<4096x1024xf32, #tpu.memory_space<hbm>> -> memref<16x1024xf32, #tpu.memory_space<hbm>>
    tpu.enqueue_dma source(%arg12 : memref<16x1024xf32, #tpu.memory_space<vmem>>) target(%dma_start3A_155 : memref<16x1024xf32, #tpu.memory_space<hbm>>) target_semaphore(%arg26 : memref<!tpu.dma_semaphore, #tpu.memory_space<semaphore_mem>>)
    %dma_wait3A_156 = arith.constant 112 : i32
    %dma_wait3A_157 = tpu.memref_slice %arg5[%dma_wait3A_156] : memref<128xi32, #tpu.memory_space<vmem>> -> memref<16xi32, #tpu.memory_space<vmem>>
    %dma_wait3A_158 = arith.constant 0 : i32
    %dma_wait3A_159 = arith.constant 0 : i32
    %dma_wait3A_160 = tpu.memref_slice %arg2[%dma_wait3A_158, %dma_wait3A_159] : memref<100000x1024xf32, #tpu.memory_space<hbm>> -> memref<100000x1024xf32, #tpu.memory_space<hbm>>
    tpu.wait_indirect_dma semaphore(%arg13 : memref<!tpu.dma_semaphore, #tpu.memory_space<semaphore_mem>>) src(%dma_wait3A_160 : memref<100000x1024xf32, #tpu.memory_space<hbm>>) dst(%arg6 : memref<16x1024xf32, #tpu.memory_space<vmem>>)
    %add3A_161 = arith.constant 112 : i32
    %add3A_162 = arith.addi %mul3A_36, %add3A_161 : i32
    %dma_start3A_163 = arith.constant 0 : i32
    %dma_start3A_164 = tpu.memref_slice %arg4[%add3A_162, %dma_start3A_163] : memref<4096x1024xf32, #tpu.memory_space<hbm>> -> memref<16x1024xf32, #tpu.memory_space<hbm>>
    %dma_start3A_165 = arith.constant 0 : i32
    %dma_start3A_166 = tpu.memref_slice %arg4[%add3A_162, %dma_start3A_165] : memref<4096x1024xf32, #tpu.memory_space<hbm>> -> memref<16x1024xf32, #tpu.memory_space<hbm>>
    tpu.enqueue_dma source(%arg6 : memref<16x1024xf32, #tpu.memory_space<vmem>>) target(%dma_start3A_166 : memref<16x1024xf32, #tpu.memory_space<hbm>>) target_semaphore(%arg20 : memref<!tpu.dma_semaphore, #tpu.memory_space<semaphore_mem>>)
    %dma_wait3A_167 = arith.constant 0 : i32
    %dma_wait3A_168 = tpu.memref_slice %arg4[%add3A_87, %dma_wait3A_167] : memref<4096x1024xf32, #tpu.memory_space<hbm>> -> memref<16x1024xf32, #tpu.memory_space<hbm>>
    %dma_wait3A_169 = arith.constant 0 : i32
    %dma_wait3A_170 = tpu.memref_slice %arg4[%add3A_87, %dma_wait3A_169] : memref<4096x1024xf32, #tpu.memory_space<hbm>> -> memref<16x1024xf32, #tpu.memory_space<hbm>>
    tpu.wait_dma2 semaphore(%arg21 : memref<!tpu.dma_semaphore, #tpu.memory_space<semaphore_mem>>) src(%arg7 : memref<16x1024xf32, #tpu.memory_space<vmem>>) dst(%dma_wait3A_170 : memref<16x1024xf32, #tpu.memory_space<hbm>>)
    %dma_wait3A_171 = arith.constant 0 : i32
    %dma_wait3A_172 = tpu.memref_slice %arg4[%add3A_107, %dma_wait3A_171] : memref<4096x1024xf32, #tpu.memory_space<hbm>> -> memref<16x1024xf32, #tpu.memory_space<hbm>>
    %dma_wait3A_173 = arith.constant 0 : i32
    %dma_wait3A_174 = tpu.memref_slice %arg4[%add3A_107, %dma_wait3A_173] : memref<4096x1024xf32, #tpu.memory_space<hbm>> -> memref<16x1024xf32, #tpu.memory_space<hbm>>
    tpu.wait_dma2 semaphore(%arg22 : memref<!tpu.dma_semaphore, #tpu.memory_space<semaphore_mem>>) src(%arg8 : memref<16x1024xf32, #tpu.memory_space<vmem>>) dst(%dma_wait3A_174 : memref<16x1024xf32, #tpu.memory_space<hbm>>)
    %dma_wait3A_175 = arith.constant 0 : i32
    %dma_wait3A_176 = tpu.memref_slice %arg4[%add3A_118, %dma_wait3A_175] : memref<4096x1024xf32, #tpu.memory_space<hbm>> -> memref<16x1024xf32, #tpu.memory_space<hbm>>
    %dma_wait3A_177 = arith.constant 0 : i32
    %dma_wait3A_178 = tpu.memref_slice %arg4[%add3A_118, %dma_wait3A_177] : memref<4096x1024xf32, #tpu.memory_space<hbm>> -> memref<16x1024xf32, #tpu.memory_space<hbm>>
    tpu.wait_dma2 semaphore(%arg23 : memref<!tpu.dma_semaphore, #tpu.memory_space<semaphore_mem>>) src(%arg9 : memref<16x1024xf32, #tpu.memory_space<vmem>>) dst(%dma_wait3A_178 : memref<16x1024xf32, #tpu.memory_space<hbm>>)
    %dma_wait3A_179 = arith.constant 0 : i32
    %dma_wait3A_180 = tpu.memref_slice %arg4[%add3A_129, %dma_wait3A_179] : memref<4096x1024xf32, #tpu.memory_space<hbm>> -> memref<16x1024xf32, #tpu.memory_space<hbm>>
    %dma_wait3A_181 = arith.constant 0 : i32
    %dma_wait3A_182 = tpu.memref_slice %arg4[%add3A_129, %dma_wait3A_181] : memref<4096x1024xf32, #tpu.memory_space<hbm>> -> memref<16x1024xf32, #tpu.memory_space<hbm>>
    tpu.wait_dma2 semaphore(%arg24 : memref<!tpu.dma_semaphore, #tpu.memory_space<semaphore_mem>>) src(%arg10 : memref<16x1024xf32, #tpu.memory_space<vmem>>) dst(%dma_wait3A_182 : memref<16x1024xf32, #tpu.memory_space<hbm>>)
    %dma_wait3A_183 = arith.constant 0 : i32
    %dma_wait3A_184 = tpu.memref_slice %arg4[%add3A_140, %dma_wait3A_183] : memref<4096x1024xf32, #tpu.memory_space<hbm>> -> memref<16x1024xf32, #tpu.memory_space<hbm>>
    %dma_wait3A_185 = arith.constant 0 : i32
    %dma_wait3A_186 = tpu.memref_slice %arg4[%add3A_140, %dma_wait3A_185] : memref<4096x1024xf32, #tpu.memory_space<hbm>> -> memref<16x1024xf32, #tpu.memory_space<hbm>>
    tpu.wait_dma2 semaphore(%arg25 : memref<!tpu.dma_semaphore, #tpu.memory_space<semaphore_mem>>) src(%arg11 : memref<16x1024xf32, #tpu.memory_space<vmem>>) dst(%dma_wait3A_186 : memref<16x1024xf32, #tpu.memory_space<hbm>>)
    %dma_wait3A_187 = arith.constant 0 : i32
    %dma_wait3A_188 = tpu.memref_slice %arg4[%add3A_151, %dma_wait3A_187] : memref<4096x1024xf32, #tpu.memory_space<hbm>> -> memref<16x1024xf32, #tpu.memory_space<hbm>>
    %dma_wait3A_189 = arith.constant 0 : i32
    %dma_wait3A_190 = tpu.memref_slice %arg4[%add3A_151, %dma_wait3A_189] : memref<4096x1024xf32, #tpu.memory_space<hbm>> -> memref<16x1024xf32, #tpu.memory_space<hbm>>
    tpu.wait_dma2 semaphore(%arg26 : memref<!tpu.dma_semaphore, #tpu.memory_space<semaphore_mem>>) src(%arg12 : memref<16x1024xf32, #tpu.memory_space<vmem>>) dst(%dma_wait3A_190 : memref<16x1024xf32, #tpu.memory_space<hbm>>)
    %dma_wait3A_191 = arith.constant 0 : i32
    %dma_wait3A_192 = tpu.memref_slice %arg4[%add3A_162, %dma_wait3A_191] : memref<4096x1024xf32, #tpu.memory_space<hbm>> -> memref<16x1024xf32, #tpu.memory_space<hbm>>
    %dma_wait3A_193 = arith.constant 0 : i32
    %dma_wait3A_194 = tpu.memref_slice %arg4[%add3A_162, %dma_wait3A_193] : memref<4096x1024xf32, #tpu.memory_space<hbm>> -> memref<16x1024xf32, #tpu.memory_space<hbm>>
    tpu.wait_dma2 semaphore(%arg20 : memref<!tpu.dma_semaphore, #tpu.memory_space<semaphore_mem>>) src(%arg6 : memref<16x1024xf32, #tpu.memory_space<vmem>>) dst(%dma_wait3A_194 : memref<16x1024xf32, #tpu.memory_space<hbm>>)
    return
  }
}

module attributes {stable_mosaic.version = 14 : i64} {
  func.func @_ln_body_acc(%arg0: i32, %arg1: i32, %arg2: memref<512x1024xf32, #tpu.memory_space<vmem>>, %arg3: memref<512x1024xf32, #tpu.memory_space<vmem>>, %arg4: memref<1x1x512xf32, #tpu.memory_space<vmem>>, %arg5: memref<2x1024xf32, #tpu.memory_space<vmem>>, %arg6: memref<1x1024xf32, #tpu.memory_space<vmem>>, %arg7: memref<1x1024xf32, #tpu.memory_space<vmem>>, %arg8: memref<8192x1024xf32, #tpu.memory_space<hbm>>, %arg9: memref<512x1024xf32, #tpu.memory_space<vmem>>) attributes {dimension_semantics = [#tpu.dimension_semantics<arbitrary>, #tpu.dimension_semantics<arbitrary>], iteration_bounds = array<i64: 2, 4>, scalar_prefetch = 0 : i64, scratch_operands = 0 : i64, tpu.core_type = #tpu.core_type<tc>, window_params = [{transform_indices = @transform_0, window_bounds = array<i64: 512, 1024>}, {transform_indices = @transform_1, window_bounds = array<i64: 512, 1024>}, {transform_indices = @transform_2, window_bounds = array<i64: 1, 1, 512>}, {pipeline_mode = #tpu.pipeline_mode<synchronous>, transform_indices = @transform_3, window_bounds = array<i64: 2, 1024>}, {pipeline_mode = #tpu.pipeline_mode<synchronous>, transform_indices = @transform_4, window_bounds = array<i64: 1, 1024>}, {pipeline_mode = #tpu.pipeline_mode<synchronous>, transform_indices = @transform_5, window_bounds = array<i64: 1, 1024>}, {}, {transform_indices = @transform_7, window_bounds = array<i64: 512, 1024>}]} {
    %get3A = arith.constant 0 : index
    %get3A_0 = arith.constant 0 : index
    %get3A_1 = vector.load %arg2[%get3A, %get3A_0] : memref<512x1024xf32, #tpu.memory_space<vmem>>, vector<512x1024xf32>
    %get3A_2 = arith.constant 0 : index
    %get3A_3 = arith.constant 0 : index
    %get3A_4 = vector.load %arg3[%get3A_2, %get3A_3] : memref<512x1024xf32, #tpu.memory_space<vmem>>, vector<512x1024xf32>
    %add3A = arith.addf %get3A_1, %get3A_4 : vector<512x1024xf32>
    %get3A_5 = arith.constant 0 : index
    %get3A_6 = arith.constant 0 : index
    %get3A_7 = arith.constant 0 : index
    %get3A_8 = vector.load %arg4[%get3A_5, %get3A_6, %get3A_7] : memref<1x1x512xf32, #tpu.memory_space<vmem>>, vector<1x1x512xf32>
    %get3A_9 = vector.shape_cast %get3A_8 : vector<1x1x512xf32> to vector<512xf32>
    %get3A_10 = arith.constant 0 : index
    %get3A_11 = arith.constant 0 : index
    %get3A_12 = vector.load %arg5[%get3A_10, %get3A_11] : memref<2x1024xf32, #tpu.memory_space<vmem>>, vector<1x1024xf32>
    %get3A_13 = vector.shape_cast %get3A_12 : vector<1x1024xf32> to vector<1024xf32>
    %get3A_14 = arith.constant 1 : index
    %get3A_15 = arith.constant 0 : index
    %get3A_16 = vector.load %arg5[%get3A_14, %get3A_15] : memref<2x1024xf32, #tpu.memory_space<vmem>>, vector<1x1024xf32>
    %get3A_17 = vector.shape_cast %get3A_16 : vector<1x1024xf32> to vector<1024xf32>
    %reshape3A = vector.shape_cast %get3A_9 : vector<512xf32> to vector<512x1xf32>
    %broadcast_in_dim3A = vector.shape_cast %get3A_13 : vector<1024xf32> to vector<1x1024xf32>
    %add3A_18 = vector.broadcast %broadcast_in_dim3A : vector<1x1024xf32> to vector<512x1024xf32>
    %add3A_19 = arith.addf %add3A, %add3A_18 : vector<512x1024xf32>
    %sub3A = arith.subf %get3A_17, %get3A_13 : vector<1024xf32>
    %broadcast_in_dim3A_20 = vector.shape_cast %sub3A : vector<1024xf32> to vector<1x1024xf32>
    %mul3A = vector.broadcast %reshape3A : vector<512x1xf32> to vector<512x1024xf32>
    %mul3A_21 = vector.broadcast %broadcast_in_dim3A_20 : vector<1x1024xf32> to vector<512x1024xf32>
    %mul3A_22 = arith.mulf %mul3A, %mul3A_21 : vector<512x1024xf32>
    %add3A_23 = arith.addf %add3A_19, %mul3A_22 : vector<512x1024xf32>
    %reduce_sum3A = arith.constant dense<0.000000e+00> : vector<512xf32>
    %reduce_sum3A_24 = vector.multi_reduction <add>, %add3A_23, %reduce_sum3A [1] : vector<512x1024xf32> to vector<512xf32>
    %broadcast_in_dim3A_25 = vector.shape_cast %reduce_sum3A_24 : vector<512xf32> to vector<512x1xf32>
    %div3A = arith.constant 1.024000e+03 : f32
    %div3A_26 = vector.broadcast %div3A : f32 to vector<512x1xf32>
    %div3A_27 = arith.divf %broadcast_in_dim3A_25, %div3A_26 : vector<512x1xf32>
    %sub3A_28 = vector.broadcast %div3A_27 : vector<512x1xf32> to vector<512x1024xf32>
    %sub3A_29 = arith.subf %add3A_23, %sub3A_28 : vector<512x1024xf32>
    %mul3A_30 = arith.mulf %sub3A_29, %sub3A_29 : vector<512x1024xf32>
    %reduce_sum3A_31 = arith.constant dense<0.000000e+00> : vector<512xf32>
    %reduce_sum3A_32 = vector.multi_reduction <add>, %mul3A_30, %reduce_sum3A_31 [1] : vector<512x1024xf32> to vector<512xf32>
    %broadcast_in_dim3A_33 = vector.shape_cast %reduce_sum3A_32 : vector<512xf32> to vector<512x1xf32>
    %div3A_34 = arith.constant 1.024000e+03 : f32
    %div3A_35 = vector.broadcast %div3A_34 : f32 to vector<512x1xf32>
    %div3A_36 = arith.divf %broadcast_in_dim3A_33, %div3A_35 : vector<512x1xf32>
    %get3A_37 = arith.constant 0 : index
    %get3A_38 = arith.constant 0 : index
    %get3A_39 = vector.load %arg6[%get3A_37, %get3A_38] : memref<1x1024xf32, #tpu.memory_space<vmem>>, vector<1x1024xf32>
    %add3A_40 = arith.constant 9.99999974E-6 : f32
    %add3A_41 = vector.broadcast %add3A_40 : f32 to vector<512x1xf32>
    %add3A_42 = arith.addf %div3A_36, %add3A_41 : vector<512x1xf32>
    %rsqrt3A = math.rsqrt %add3A_42 : vector<512x1xf32>
    %mul3A_43 = vector.broadcast %rsqrt3A : vector<512x1xf32> to vector<512x1024xf32>
    %mul3A_44 = arith.mulf %sub3A_29, %mul3A_43 : vector<512x1024xf32>
    %mul3A_45 = vector.broadcast %get3A_39 : vector<1x1024xf32> to vector<512x1024xf32>
    %mul3A_46 = arith.mulf %mul3A_45, %mul3A_44 : vector<512x1024xf32>
    %get3A_47 = arith.constant 0 : index
    %get3A_48 = arith.constant 0 : index
    %get3A_49 = vector.load %arg7[%get3A_47, %get3A_48] : memref<1x1024xf32, #tpu.memory_space<vmem>>, vector<1x1024xf32>
    %add3A_50 = vector.broadcast %get3A_49 : vector<1x1024xf32> to vector<512x1024xf32>
    %add3A_51 = arith.addf %mul3A_46, %add3A_50 : vector<512x1024xf32>
    %swap3A = arith.constant 0 : index
    %swap3A_52 = arith.constant 0 : index
    %swap3A_53 = vector.load %arg9[%swap3A, %swap3A_52] : memref<512x1024xf32, #tpu.memory_space<vmem>>, vector<512x1024xf32>
    tpu.vector_store %arg9[%swap3A, %swap3A_52], %add3A_51 {strides = array<i32>} : memref<512x1024xf32, #tpu.memory_space<vmem>>, vector<512x1024xf32>,
    return
  }
  func.func @transform_0(%arg0: i32, %arg1: i32) -> (i32, i32) {
    %mul3A = arith.constant 2 : i32
    %mul3A_0 = arith.muli %arg1, %mul3A : i32
    %add3A = arith.addi %mul3A_0, %arg0 : i32
    %c0_i32 = arith.constant 0 : i32
    %c0_i32_1 = arith.constant 0 : i32
    return %add3A, %c0_i32 : i32, i32
  }
  func.func @transform_1(%arg0: i32, %arg1: i32) -> (i32, i32) {
    %add3A = arith.constant 2 : i32
    %add3A_0 = arith.addi %add3A, %arg0 : i32
    %c0_i32 = arith.constant 0 : i32
    %c0_i32_1 = arith.constant 0 : i32
    return %add3A_0, %c0_i32 : i32, i32
  }
  func.func @transform_2(%arg0: i32, %arg1: i32) -> (i32, i32, i32) {
    %add3A = arith.constant 2 : i32
    %add3A_0 = arith.addi %add3A, %arg0 : i32
    %c0_i32 = arith.constant 0 : i32
    %c0_i32_1 = arith.constant 0 : i32
    return %arg1, %c0_i32, %add3A_0 : i32, i32, i32
  }
  func.func @transform_3(%arg0: i32, %arg1: i32) -> (i32, i32) {
    %c0_i32 = arith.constant 0 : i32
    %c0_i32_0 = arith.constant 0 : i32
    %c0_i32_1 = arith.constant 0 : i32
    return %c0_i32, %c0_i32_0 : i32, i32
  }
  func.func @transform_4(%arg0: i32, %arg1: i32) -> (i32, i32) {
    %c0_i32 = arith.constant 0 : i32
    %c0_i32_0 = arith.constant 0 : i32
    %c0_i32_1 = arith.constant 0 : i32
    return %c0_i32, %c0_i32_0 : i32, i32
  }
  func.func @transform_5(%arg0: i32, %arg1: i32) -> (i32, i32) {
    %c0_i32 = arith.constant 0 : i32
    %c0_i32_0 = arith.constant 0 : i32
    %c0_i32_1 = arith.constant 0 : i32
    return %c0_i32, %c0_i32_0 : i32, i32
  }
  func.func @transform_7(%arg0: i32, %arg1: i32) -> (i32, i32) {
    %mul3A = arith.constant 4 : i32
    %mul3A_0 = arith.muli %arg1, %mul3A : i32
    %add3A = arith.constant 2 : i32
    %add3A_1 = arith.addi %mul3A_0, %add3A : i32
    %add3A_2 = arith.addi %add3A_1, %arg0 : i32
    %c0_i32 = arith.constant 0 : i32
    %c0_i32_3 = arith.constant 0 : i32
    return %add3A_2, %c0_i32 : i32, i32
  }
}

module attributes {stable_mosaic.version = 14 : i64} {
  func.func @_ln_body(%arg0: i32, %arg1: i32, %arg2: memref<512x1024xf32, #tpu.memory_space<vmem>>, %arg3: memref<512x1024xf32, #tpu.memory_space<vmem>>, %arg4: memref<1x1x512xf32, #tpu.memory_space<vmem>>, %arg5: memref<2x1024xf32, #tpu.memory_space<vmem>>, %arg6: memref<1x1024xf32, #tpu.memory_space<vmem>>, %arg7: memref<1x1024xf32, #tpu.memory_space<vmem>>, %arg8: memref<512x1024xf32, #tpu.memory_space<vmem>>) attributes {dimension_semantics = [#tpu.dimension_semantics<arbitrary>, #tpu.dimension_semantics<arbitrary>], iteration_bounds = array<i64: 2, 4>, scalar_prefetch = 0 : i64, scratch_operands = 0 : i64, tpu.core_type = #tpu.core_type<tc>, window_params = [{transform_indices = @transform_0, window_bounds = array<i64: 512, 1024>}, {transform_indices = @transform_1, window_bounds = array<i64: 512, 1024>}, {transform_indices = @transform_2, window_bounds = array<i64: 1, 1, 512>}, {pipeline_mode = #tpu.pipeline_mode<synchronous>, transform_indices = @transform_3, window_bounds = array<i64: 2, 1024>}, {pipeline_mode = #tpu.pipeline_mode<synchronous>, transform_indices = @transform_4, window_bounds = array<i64: 1, 1024>}, {pipeline_mode = #tpu.pipeline_mode<synchronous>, transform_indices = @transform_5, window_bounds = array<i64: 1, 1024>}, {transform_indices = @transform_6, window_bounds = array<i64: 512, 1024>}]} {
    %get3A = arith.constant 0 : index
    %get3A_0 = arith.constant 0 : index
    %get3A_1 = vector.load %arg2[%get3A, %get3A_0] : memref<512x1024xf32, #tpu.memory_space<vmem>>, vector<512x1024xf32>
    %get3A_2 = arith.constant 0 : index
    %get3A_3 = arith.constant 0 : index
    %get3A_4 = vector.load %arg3[%get3A_2, %get3A_3] : memref<512x1024xf32, #tpu.memory_space<vmem>>, vector<512x1024xf32>
    %add3A = arith.addf %get3A_1, %get3A_4 : vector<512x1024xf32>
    %get3A_5 = arith.constant 0 : index
    %get3A_6 = arith.constant 0 : index
    %get3A_7 = arith.constant 0 : index
    %get3A_8 = vector.load %arg4[%get3A_5, %get3A_6, %get3A_7] : memref<1x1x512xf32, #tpu.memory_space<vmem>>, vector<1x1x512xf32>
    %get3A_9 = vector.shape_cast %get3A_8 : vector<1x1x512xf32> to vector<512xf32>
    %get3A_10 = arith.constant 0 : index
    %get3A_11 = arith.constant 0 : index
    %get3A_12 = vector.load %arg5[%get3A_10, %get3A_11] : memref<2x1024xf32, #tpu.memory_space<vmem>>, vector<1x1024xf32>
    %get3A_13 = vector.shape_cast %get3A_12 : vector<1x1024xf32> to vector<1024xf32>
    %get3A_14 = arith.constant 1 : index
    %get3A_15 = arith.constant 0 : index
    %get3A_16 = vector.load %arg5[%get3A_14, %get3A_15] : memref<2x1024xf32, #tpu.memory_space<vmem>>, vector<1x1024xf32>
    %get3A_17 = vector.shape_cast %get3A_16 : vector<1x1024xf32> to vector<1024xf32>
    %reshape3A = vector.shape_cast %get3A_9 : vector<512xf32> to vector<512x1xf32>
    %broadcast_in_dim3A = vector.shape_cast %get3A_13 : vector<1024xf32> to vector<1x1024xf32>
    %add3A_18 = vector.broadcast %broadcast_in_dim3A : vector<1x1024xf32> to vector<512x1024xf32>
    %add3A_19 = arith.addf %add3A, %add3A_18 : vector<512x1024xf32>
    %sub3A = arith.subf %get3A_17, %get3A_13 : vector<1024xf32>
    %broadcast_in_dim3A_20 = vector.shape_cast %sub3A : vector<1024xf32> to vector<1x1024xf32>
    %mul3A = vector.broadcast %reshape3A : vector<512x1xf32> to vector<512x1024xf32>
    %mul3A_21 = vector.broadcast %broadcast_in_dim3A_20 : vector<1x1024xf32> to vector<512x1024xf32>
    %mul3A_22 = arith.mulf %mul3A, %mul3A_21 : vector<512x1024xf32>
    %add3A_23 = arith.addf %add3A_19, %mul3A_22 : vector<512x1024xf32>
    %reduce_sum3A = arith.constant dense<0.000000e+00> : vector<512xf32>
    %reduce_sum3A_24 = vector.multi_reduction <add>, %add3A_23, %reduce_sum3A [1] : vector<512x1024xf32> to vector<512xf32>
    %broadcast_in_dim3A_25 = vector.shape_cast %reduce_sum3A_24 : vector<512xf32> to vector<512x1xf32>
    %div3A = arith.constant 1.024000e+03 : f32
    %div3A_26 = vector.broadcast %div3A : f32 to vector<512x1xf32>
    %div3A_27 = arith.divf %broadcast_in_dim3A_25, %div3A_26 : vector<512x1xf32>
    %sub3A_28 = vector.broadcast %div3A_27 : vector<512x1xf32> to vector<512x1024xf32>
    %sub3A_29 = arith.subf %add3A_23, %sub3A_28 : vector<512x1024xf32>
    %mul3A_30 = arith.mulf %sub3A_29, %sub3A_29 : vector<512x1024xf32>
    %reduce_sum3A_31 = arith.constant dense<0.000000e+00> : vector<512xf32>
    %reduce_sum3A_32 = vector.multi_reduction <add>, %mul3A_30, %reduce_sum3A_31 [1] : vector<512x1024xf32> to vector<512xf32>
    %broadcast_in_dim3A_33 = vector.shape_cast %reduce_sum3A_32 : vector<512xf32> to vector<512x1xf32>
    %div3A_34 = arith.constant 1.024000e+03 : f32
    %div3A_35 = vector.broadcast %div3A_34 : f32 to vector<512x1xf32>
    %div3A_36 = arith.divf %broadcast_in_dim3A_33, %div3A_35 : vector<512x1xf32>
    %get3A_37 = arith.constant 0 : index
    %get3A_38 = arith.constant 0 : index
    %get3A_39 = vector.load %arg6[%get3A_37, %get3A_38] : memref<1x1024xf32, #tpu.memory_space<vmem>>, vector<1x1024xf32>
    %add3A_40 = arith.constant 9.99999974E-6 : f32
    %add3A_41 = vector.broadcast %add3A_40 : f32 to vector<512x1xf32>
    %add3A_42 = arith.addf %div3A_36, %add3A_41 : vector<512x1xf32>
    %rsqrt3A = math.rsqrt %add3A_42 : vector<512x1xf32>
    %mul3A_43 = vector.broadcast %rsqrt3A : vector<512x1xf32> to vector<512x1024xf32>
    %mul3A_44 = arith.mulf %sub3A_29, %mul3A_43 : vector<512x1024xf32>
    %mul3A_45 = vector.broadcast %get3A_39 : vector<1x1024xf32> to vector<512x1024xf32>
    %mul3A_46 = arith.mulf %mul3A_45, %mul3A_44 : vector<512x1024xf32>
    %get3A_47 = arith.constant 0 : index
    %get3A_48 = arith.constant 0 : index
    %get3A_49 = vector.load %arg7[%get3A_47, %get3A_48] : memref<1x1024xf32, #tpu.memory_space<vmem>>, vector<1x1024xf32>
    %add3A_50 = vector.broadcast %get3A_49 : vector<1x1024xf32> to vector<512x1024xf32>
    %add3A_51 = arith.addf %mul3A_46, %add3A_50 : vector<512x1024xf32>
    %swap3A = arith.constant 0 : index
    %swap3A_52 = arith.constant 0 : index
    %swap3A_53 = vector.load %arg8[%swap3A, %swap3A_52] : memref<512x1024xf32, #tpu.memory_space<vmem>>, vector<512x1024xf32>
    tpu.vector_store %arg8[%swap3A, %swap3A_52], %add3A_51 {strides = array<i32>} : memref<512x1024xf32, #tpu.memory_space<vmem>>, vector<512x1024xf32>,
    return
  }
  func.func @transform_0(%arg0: i32, %arg1: i32) -> (i32, i32) {
    %mul3A = arith.constant 2 : i32
    %mul3A_0 = arith.muli %arg1, %mul3A : i32
    %add3A = arith.addi %mul3A_0, %arg0 : i32
    %c0_i32 = arith.constant 0 : i32
    %c0_i32_1 = arith.constant 0 : i32
    return %add3A, %c0_i32 : i32, i32
  }
  func.func @transform_1(%arg0: i32, %arg1: i32) -> (i32, i32) {
    %add3A = arith.constant 0 : i32
    %add3A_0 = arith.addi %add3A, %arg0 : i32
    %c0_i32 = arith.constant 0 : i32
    %c0_i32_1 = arith.constant 0 : i32
    return %add3A_0, %c0_i32 : i32, i32
  }
  func.func @transform_2(%arg0: i32, %arg1: i32) -> (i32, i32, i32) {
    %add3A = arith.constant 0 : i32
    %add3A_0 = arith.addi %add3A, %arg0 : i32
    %c0_i32 = arith.constant 0 : i32
    %c0_i32_1 = arith.constant 0 : i32
    return %arg1, %c0_i32, %add3A_0 : i32, i32, i32
  }
  func.func @transform_3(%arg0: i32, %arg1: i32) -> (i32, i32) {
    %c0_i32 = arith.constant 0 : i32
    %c0_i32_0 = arith.constant 0 : i32
    %c0_i32_1 = arith.constant 0 : i32
    return %c0_i32, %c0_i32_0 : i32, i32
  }
  func.func @transform_4(%arg0: i32, %arg1: i32) -> (i32, i32) {
    %c0_i32 = arith.constant 0 : i32
    %c0_i32_0 = arith.constant 0 : i32
    %c0_i32_1 = arith.constant 0 : i32
    return %c0_i32, %c0_i32_0 : i32, i32
  }
  func.func @transform_5(%arg0: i32, %arg1: i32) -> (i32, i32) {
    %c0_i32 = arith.constant 0 : i32
    %c0_i32_0 = arith.constant 0 : i32
    %c0_i32_1 = arith.constant 0 : i32
    return %c0_i32, %c0_i32_0 : i32, i32
  }
  func.func @transform_6(%arg0: i32, %arg1: i32) -> (i32, i32) {
    %mul3A = arith.constant 4 : i32
    %mul3A_0 = arith.muli %arg1, %mul3A : i32
    %add3A = arith.constant 0 : i32
    %add3A_1 = arith.addi %mul3A_0, %add3A : i32
    %add3A_2 = arith.addi %add3A_1, %arg0 : i32
    %c0_i32 = arith.constant 0 : i32
    %c0_i32_3 = arith.constant 0 : i32
    return %add3A_2, %c0_i32 : i32, i32
  }
}

</mosaic_0001>

<sc_bundles>
// kernel: kernel.6.cloned.1.call-start
scs
__scs_entry_jumppad:
0x0: {  	(pc) =	sbr.rel $0x88, $3  }
0x1: {  	(tag) =	ssettag $0x0;
	lr =	simm.s32 $0x1  }
0x2: {  	[smem:$0x3F9A] =	sst lr;
	_ =	strace $0xD0000000  }
0x3: {  	_ = 	snop  }
0x4: {  	_ = 	snop  }
0x5: {  	_ = 	snop  }
0x6: {  	_ = 	snop  }
0x7: {  	_ = 	snop  }
__scs_overlays_trampoline_lowered:
0x8: {  	[smem:$0x3FA9] =	sst s0  }
0x9: {  	[smem:$0x3FAA] =	sst s1  }
0xa: {  	[smem:$0x3FAB] =	sst s2  }
0xb: {  	[smem:$0x3FAC] =	sst s3  }
0xc: {  	[smem:$0x3FAD] =	sst s4  }
0xd: {  	[smem:$0x3FAE] =	sst s5  }
0xe: {  	[smem:$0x3FAF] =	sst s6  }
0xf: {  	[smem:$0x3FB0] =	sst s7  }
0x10: {  	[smem:$0x3FB1] =	sst s8  }
0x11: {  	[smem:$0x3FB2] =	sst s9;
	s0 =	simm.s32 @!p0 $0x0  }
0x12: {  	s1 =	sld [smem:$0x3F98];
	s0 =	simm.s32 @p0 $0x1  }
0x13: {  	[smem:$0x3FB3] =	sst s0;
	s0 =	simm.s32 @!p1 $0x0  }
0x14: {  	s2 =	sld [smem:$0x3F97];
	s0 =	simm.s32 @p1 $0x1  }
0x15: {  	[smem:$0x3FB4] =	sst s0;
	s0 =	simm.s32 @!p2 $0x0  }
0x16: {  	s3 =	sld [smem:$0x3FDB];
	s0 =	simm.s32 @p2 $0x1  }
0x17: {  	s4 =	simm.s32 $0x1BF5;
	[smem:$0x3FB6] =	sst s0  }
0x18: {  	s0 =	sld [smem:$0x3F99];
	_ =	swait.ge [sflag:s4], $0x0  }
0x19: {  	s7 =	sld [smem:$0x3F9A]  }
0x1a: {  	s8 =	sadd.s32 $0xFFFFE003, lr  }
0x1b: {  	s9 =	sadd.s32 $0xFFFFFEF7, lr;
	s5 =	simm.s32 $0xFFFFFFFF;
	p2 =	slt.u32 s8, $0xFFFFF086  }
0x1c: {  	p1 =	slt.u32 s9, $0xF7A;
	s5 =	simm.s32 @!p2 $0x0  }
0x1d: {  	s5 =	simm.s32 @p1 $0x1;
	p0 =	seq.s32 s7, s2  }
0x1e: {  	s7 =	smul.u32 @!p0 $0xF7A, s2;
	p2 =	seq.s32 @!p0 s5, $0x0  }
0x1f: {  	s9 =	smul.u32 $0xF7A, s1;
	s8 =	simm.s32 @!p0 $0x1BF5;
	p2 =	por !p2, p0  }
0x20: {  	[sflag:s8] =	ssyncset.s32 @!p0 $0xFFFFF086;
	s6 =	sadd.s32 @!p0 s3, s7;
	s7 =	simm.s32 @!p0 $0x108  }
0x21: {  	s3 =	sadd.s32 s3, s9;
	s6 =	sadd.s32 @!p0 $0x88, s6;
	s7 =	simm.s32 @p2 $0x1082  }
0x22: {  	[simem:s7], [sflag:s8] =	dma.local @!p0 [hbm:s6], $0xF7A  }
0x23: {  	s9 =	sor.u32 $0xD0000000, s2;
	s6 =	simm.s32 $0x108;
	_ =	swait.ge @!p0 [sflag:s8], $0x0  }
0x24: {  	s3 =	sadd.s32 $0x88, s3;
	s6 =	simm.s32 @!p1 $0x1082;
	[sflag:s4] =	ssyncset.s32 $0xFFFFF086  }
0x25: {  	[simem:s6], [sflag:s4] =	dma.local [hbm:s3], $0xF7A  }
0x26: {  	[smem:$0x3F9A] =	sst s1;
	(tag) =	ssettag s2;
	_ =	strace s9  }
0x27: {  	s1 =	sld [smem:$0x3FAA]  }
0x28: {  	s2 =	sld [smem:$0x3FAB]  }
0x29: {  	s4 =	sld [smem:$0x3FAD]  }
0x2a: {  	p0 =	seq.s32 s5, $0x0;
	s5 =	sld [smem:$0x3FAE]  }
0x2b: {  	s6 =	sld [smem:$0x3FAF]  }
0x2c: {  	s7 =	sld [smem:$0x3FB0]  }
0x2d: {  	s3 =	simm.s32 $0x108;
	s8 =	sld [smem:$0x3FB1]  }
0x2e: {  	s3 =	simm.s32 @!p0 $0x1082;
	s9 =	sld [smem:$0x3FB2]  }
0x2f: {  	lr =	sadd.s32 s0, s3;
	s0 =	sld [smem:$0x3FA9]  }
0x30: {  	s3 =	sld [smem:$0x3FAC]  }
0x31: {  	[smem:$0x3FB5] =	sst s10  }
0x32: {  	s10 =	sld [smem:$0x3FB3];
	_ =	sdelay $0x3  }
0x33: {  	p0 =	seq.s32 s10, $0x1;
	s10 =	sld [smem:$0x3FB5];
	_ =	sdelay $0x3  }
0x34: {  	[smem:$0x3FB5] =	sst s10  }
0x35: {  	s10 =	sld [smem:$0x3FB4];
	_ =	sdelay $0x3  }
0x36: {  	p1 =	seq.s32 s10, $0x1;
	s10 =	sld [smem:$0x3FB5];
	_ =	sdelay $0x3  }
0x37: {  	[smem:$0x3FB5] =	sst s10  }
0x38: {  	s10 =	sld [smem:$0x3FB6]  }
0x39: {  	_ = 	snop;
	(pc) =	sbr.ind lr, $3  }
0x3a: {  	_ = 	snop  }
0x3b: {  	_ = 	snop  }
0x3c: {  	p2 =	seq.s32 s10, $0x1;
	s10 =	sld [smem:$0x3FB5]  }
0x3d: {  	_ =	shalt  }
0x3e: {  	_ =	shalt  }
0x3f: {  	_ =	shalt  }
0x40: {  	_ =	shalt  }
0x41: {  	_ =	shalt  }
0x42: {  	_ =	shalt  }
0x43: {  	_ =	shalt  }
0x44: {  	_ =	shalt  }
0x45: {  	_ =	shalt  }
0x46: {  	_ =	shalt  }
0x47: {  	_ =	shalt  }
0x48: {  	_ =	shalt  }
0x49: {  	_ =	shalt  }
0x4a: {  	_ =	shalt  }
0x4b: {  	_ =	shalt  }
0x4c: {  	_ =	shalt  }
0x4d: {  	_ =	shalt  }
0x4e: {  	_ =	shalt  }
0x4f: {  	_ =	shalt  }
0x50: {  	_ =	shalt  }
0x51: {  	_ =	shalt  }
0x52: {  	_ =	shalt  }
0x53: {  	_ =	shalt  }
0x54: {  	_ =	shalt  }
0x55: {  	_ =	shalt  }
0x56: {  	_ =	shalt  }
0x57: {  	_ =	shalt  }
0x58: {  	_ =	shalt  }
0x59: {  	_ =	shalt  }
0x5a: {  	_ =	shalt  }
0x5b: {  	_ =	shalt  }
0x5c: {  	_ =	shalt  }
0x5d: {  	_ =	shalt  }
0x5e: {  	_ =	shalt  }
0x5f: {  	_ =	shalt  }
0x60: {  	_ =	shalt  }
0x61: {  	_ =	shalt  }
0x62: {  	_ =	shalt  }
0x63: {  	_ =	shalt  }
0x64: {  	_ =	shalt  }
0x65: {  	_ =	shalt  }
0x66: {  	_ =	shalt  }
0x67: {  	_ =	shalt  }
0x68: {  	_ =	shalt  }
0x69: {  	_ =	shalt  }
0x6a: {  	_ =	shalt  }
0x6b: {  	_ =	shalt  }
0x6c: {  	_ =	shalt  }
0x6d: {  	_ =	shalt  }
0x6e: {  	_ =	shalt  }
0x6f: {  	_ =	shalt  }
0x70: {  	_ =	shalt  }
0x71: {  	_ =	shalt  }
0x72: {  	_ =	shalt  }
0x73: {  	_ =	shalt  }
0x74: {  	_ =	shalt  }
0x75: {  	_ =	shalt  }
0x76: {  	_ =	shalt  }
0x77: {  	_ =	shalt  }
0x78: {  	_ =	shalt  }
0x79: {  	_ =	shalt  }
0x7a: {  	_ =	shalt  }
0x7b: {  	_ =	shalt  }
0x7c: {  	_ =	shalt  }
0x7d: {  	_ =	shalt  }
0x7e: {  	_ =	shalt  }
0x7f: {  	_ =	shalt  }
0x80: {  	_ =	shalt  }
0x81: {  	_ =	shalt  }
0x82: {  	_ =	shalt  }
0x83: {  	_ =	shalt  }
0x84: {  	_ =	shalt  }
0x85: {  	_ =	shalt  }
0x86: {  	_ =	shalt  }
0x87: {  	_ =	shalt  }
.Lfunc_end0:
.L_simem_size_0:
called_computation_lowered:
.L_overlay_start_0:
0x88: {  	s2 =	sld [smem:$0x3FD9]  }
0x89: {  	s3 =	sld [smem:$0x3FFE];
	_ =	sdelay $0x1  }
0x8a: {  	s1 =	srdreg.scid  }
0x8b: {  	s0 =	sand.u32 $0x1, s1  }
0x8c: {  	s17 =	sshll.u32 s0, $0xA;
	s2 =	sadd.s32 s3, s2  }
0x8d: {  	s2 =	sadd.s32 s2, s17  }
0x8e: {  	[smem:$0x3FC1] =	sst s2  }
0x8f: {  	_ = 	snop  }
0x90: {  	s2 =	sld [smem:$0x3FC9]  }
0x91: {  	s18 =	sld [smem:$0x3FC7];
	(tm) =	ssettm $0x1  }
0x92: {  	s4 =	sld [smem:$0x3FFB];
	_ =	sdelay $0x3  }
0x93: {  	_ =	strace s4  }
0x94: {  	s4 =	sld [smem:$0x3FFC];
	_ =	sdelay $0x3  }
0x95: {  	_ =	strace s4  }
0x96: {  	s4 =	sld [smem:$0x3FFD];
	_ =	sdelay $0x3  }
0x97: {  	_ =	strace s4  }
0x98: {  	_ =	strace $0x8FFFFFFF  }
0x99: {  	s19 =	sld [smem:$0x3FDB];
	_ =	sdelay $0x1  }
0x9a: {  	s5 =	simm.s32 $_scs_section_size  }
0x9b: {  	s6 =	simm.s32 $_size__tile_overlayer_lowered;
	s7 =	simm.s32 $_tile_overlayer_lowered  }
0x9c: {  	s22 =	simm.s32 $0x1BFF;
	s21 =	sshll.u32 s7, $0x1;
	s4 =	sadd.s32 s5, s19  }
0x9d: {  	s8 =	simm.s32 $0x0;
	s20 =	sshll.u32 s6, $0x1;
	s6 =	sadd.s32 s21, s4  }
0x9e: {  	[timem:s8], [sflag:s22] =	dma.local [hbm:s6], s20  }
0x9f: {  	_ =	swait.ge [sflag:s22], s20  }
0xa0: {  	s5 =	ssub.s32 $0x0, s20;
	[sflag:s22] =	ssyncset.done $0x0  }
0xa1: {  	[sflag:s22] =	ssyncadd.s32 s5;
	_ =	sdelay $0x1  }
0xa2: {  	s23 =	simm.s32 $0x1B8B  }
0xa3: {  	_ =	swait.ge [sflag:s23], $0x1  }
0xa4: {  	[sflag:s23] =	ssyncset.done $0x0  }
0xa5: {  	s25 =	simm.s32 $0x1B8E;
	s24 =	sld [smem:$0x3FFE];
	[sflag:s23] =	ssyncadd.s32 $0xFFFFFFFF  }
0xa6: {  	s26 =	simm.s32 $execute0_lowered;
	[smem:$0x3FD2] =	sst s25  }
0xa7: {  	s6 =	sshll.u32 s26, $0x1;
	_ =	strace $0x80000046;
	[dreg:$0x1] =	wrdreg $0xFFFFFFFF  }
0xa8: {  	s28 =	simm.s32 $_size_execute0_lowered;
	s4 =	sadd.s32 s4, s6;
	[dreg:$0x0] =	wrdreg $0x0  }
0xa9: {  	s6 =	sshll.u32 s28, $0x1;
	[dreg:$0x2] =	wrdreg s4  }
0xaa: {  	[dreg:$0x3] =	wrdreg s6  }
0xab: {  	[dreg:$0x4] =	wrdreg $0xC0  }
0xac: {  	_ =	task [dreg:s8], $0x5FFFF  }
0xad: {  	[dreg:$0x1] =	wrdreg $0xFFFFFFFF  }
0xae: {  	[dreg:$0x0] =	wrdreg $0x60  }
0xaf: {  	[dreg:$0x2] =	wrdreg s18  }
0xb0: {  	[dreg:$0x3] =	wrdreg s2  }
0xb1: {  	[dreg:$0x4] =	wrdreg s24  }
0xb2: {  	[dreg:$0x5] =	wrdreg $0x9  }
0xb3: {  	_ =	task.clear_ibuf [dreg:s8], $0x6FFFF;
	_ =	strace $0x90000046  }
0xb4: {  	s29 =	simm.s32 $0x9;
	_ =	strace $0x80000048  }
0xb5: {  	_ =	swait.ge [sflag:s29], $0x1  }
0xb6: {  	[sflag:s29] =	ssyncadd.s32 $0xFFFFFFFF  }
0xb7: {  	_ =	strace $0x90000048  }
0xb8: {  	_ =	sfence  }
0xb9: {  	s30 =	sld [smem:$0x0];
	_ =	sdelay $0x2  }
0xba: {  	s31 =	sshll.u32 s1, $0xD;
	s1 =	sshrl.u32 s1, $0x2  }
0xbb: {  	s3 =	sand.u32 $0x4000, s31;
	s1 =	sadd.s32 s1, s30  }
0xbc: {  	s0 =	sor.u32 s3, s0;
	s1 =	sshll.u32 s1, $0x11  }
0xbd: {  	s0 =	sor.u32 s1, s0  }
0xbe: {  	s0 =	sadd.s32 $0x8F2B, s0  }
0xbf: {  	[sflag:s0] =	ssyncadd.remote.s32 $0x1  }
0xc0: {  	_ =	sfence.sel $0xFFFF  }
0xc1: {  	[dreg:$0x0] =	wrdreg $0xFFFFFFFF;
	(pc) =	sbr.abs _section_cstart, $3  }
0xc2: {  	[dreg:$0x1] =	wrdreg $0xFFFFFFFF  }
0xc3: {  	_ =	task.clear_ibuf [dreg:s8], $0x2FFFF;
	_ =	strace $0x9FFFFFFF  }
0xc4: {  	(tm) =	ssettm $0x7FFFFFFF  }
0xc5: {  	_ =	shalt  }
tec
execute0_lowered:
.L_overlay_start_1:
0x0: {  	(tag) =	ssettag $0x1  }
0x1: {  	s2 =	rddreg [dreg:$0x0]  }
0x2: {  	s1 =	rddreg [dreg:$0x1]  }
0x3: {  	s4 =	rddreg [dreg:$0x2];
	s3 =	simm.s32 $0x0  }
0x4: {  	s8 =	simm.s32 $0x5080;
	[smem:$0x7FF] =	sst s3  }
0x5: {  	s9 =	simm.s32 $0x5880;
	_ =	strace $0x80000047;
	[dreg:$0xe] =	wrdreg s8  }
0x6: {  	s10 =	simm.s32 $0x6080;
	[dreg:$0xf] =	wrdreg s9  }
0x7: {  	s11 =	simm.s32 $0x6880;
	[dreg:$0x10] =	wrdreg s10  }
0x8: {  	s12 =	simm.s32 $0x7080;
	[dreg:$0x11] =	wrdreg s11  }
0x9: {  	s13 =	simm.s32 $0x7880;
	[dreg:$0x12] =	wrdreg s12  }
0xa: {  	s14 =	simm.s32 $0x8880;
	[dreg:$0x13] =	wrdreg s13  }
0xb: {  	s15 =	simm.s32 $0x9080;
	[dreg:$0x14] =	wrdreg s14  }
0xc: {  	s16 =	simm.s32 $0x9880;
	[dreg:$0x15] =	wrdreg s15  }
0xd: {  	s17 =	simm.s32 $0xA080;
	[dreg:$0x16] =	wrdreg s16  }
0xe: {  	s18 =	simm.s32 $0xA880;
	[dreg:$0x17] =	wrdreg s17  }
0xf: {  	s19 =	simm.s32 $0xB080;
	[dreg:$0x18] =	wrdreg s18  }
0x10: {  	s20 =	simm.s32 $0xB880;
	[dreg:$0x19] =	wrdreg s19  }
0x11: {  	[dreg:$0x1a] =	wrdreg s20;
	s8 =	simm.s32 $0x11880  }
0x12: {  	s9 =	simm.s32 $0x12080;
	[smem:$0x7EB] =	sst s8  }
0x13: {  	s0 =	srdreg.scid;
	s10 =	simm.s32 $0x12880;
	[smem:$0x7EC] =	sst s9  }
0x14: {  	s6 =	stileid.u32;
	s11 =	simm.s32 $0x13080;
	[smem:$0x7ED] =	sst s10  }
0x15: {  	s0 =	sand.u32 $0x1, s0;
	s12 =	simm.s32 $0x13880;
	[smem:$0x7EE] =	sst s11  }
0x16: {  	s5 =	sshll.u32 s6, $0x1;
	s13 =	simm.s32 $0x14880;
	[smem:$0x7EF] =	sst s12  }
0x17: {  	s6 =	sshll.u32 s6, $0x2;
	s14 =	simm.s32 $0x15080;
	[smem:$0x7F0] =	sst s13  }
0x18: {  	s5 =	sor.u32 s0, s5;
	s15 =	simm.s32 $0x15880;
	[smem:$0x7F1] =	sst s14  }
0x19: {  	s6 =	sand.u32 $0x30, s6;
	s16 =	simm.s32 $0x16080;
	[smem:$0x7F2] =	sst s15  }
0x1a: {  	s17 =	simm.s32 $0x16880;
	s18 =	simm.s32 $0x17080;
	[smem:$0x7F3] =	sst s16  }
0x1b: {  	s19 =	simm.s32 $0x17880;
	s20 =	simm.s32 $0x18880;
	[smem:$0x7F4] =	sst s17  }
0x1c: {  	s7 =	sshll.u32 s5, $0x6;
	s5 =	sshll.u32 s5, $0xE;
	[smem:$0x7F5] =	sst s18  }
0x1d: {  	s1 =	sadd.s32 s1, s6;
	[smem:$0x7F6] =	sst s19;
	s7 =	sand.u32 $0x1C0, s7  }
0x1e: {  	[smem:$0x7F7] =	sst s20;
	s4 =	sadd.s32 s5, s4;
	s1 =	sadd.s32 s7, s1  }
0x1f: {  	s21 =	sadd.s32 $0x1200, s4;
	[dreg:$0x4] =	wrdreg s1  }
0x20: {  	s22 =	sadd.s32 $0x1A00, s4;
	[dreg:$0x5] =	wrdreg s21  }
0x21: {  	s23 =	sadd.s32 $0x2200, s4;
	[dreg:$0x6] =	wrdreg s22  }
0x22: {  	s31 =	simm.s32 $0x7;
	s24 =	sadd.s32 $0x2A00, s4;
	[dreg:$0x7] =	wrdreg s23  }
0x23: {  	s28 =	simm.s32 $0x10080;
	s25 =	sadd.s32 $0x3200, s4;
	[dreg:$0x8] =	wrdreg s24  }
0x24: {  	s29 =	simm.s32 $0x14080;
	s26 =	sadd.s32 $0x3A00, s4;
	[dreg:$0x9] =	wrdreg s25  }
0x25: {  	s30 =	simm.s32 $0x18080;
	s5 =	sadd.s32 $0x4200, s4;
	[dreg:$0xa] =	wrdreg s26  }
0x26: {  	s0 =	ssub.s32 $0x2, s0;
	s6 =	sadd.s32 $0x4A00, s4;
	[dreg:$0xb] =	wrdreg s5  }
0x27: {  	s9 =	simm.s32 $0x80;
	s7 =	simm.s32 $0x4880;
	[dreg:$0xc] =	wrdreg s6  }
0x28: {  	s10 =	simm.s32 $0xB;
	s4 =	simm.s32 $0xF880;
	[dreg:$0xd] =	wrdreg s7  }
0x29: {  	s11 =	simm.s32 $0xC;
	s21 =	simm.s32 $0xC880;
	[smem:$0x7E8] =	sst s4  }
0x2a: {  	s12 =	simm.s32 $0xD;
	s22 =	simm.s32 $0xD080;
	[dreg:$0x1b] =	wrdreg s21  }
0x2b: {  	s13 =	simm.s32 $0xE;
	s23 =	simm.s32 $0xD880;
	[dreg:$0x1c] =	wrdreg s22  }
0x2c: {  	s16 =	simm.s32 $0x880;
	s24 =	simm.s32 $0xE080;
	[dreg:$0x1d] =	wrdreg s23  }
0x2d: {  	s17 =	simm.s32 $0x1080;
	s25 =	simm.s32 $0xE880;
	[dreg:$0x1e] =	wrdreg s24  }
0x2e: {  	s18 =	simm.s32 $0x1880;
	s26 =	simm.s32 $0xF080;
	[dreg:$0x1f] =	wrdreg s25  }
0x2f: {  	s19 =	simm.s32 $0x2080;
	s6 =	simm.s32 $0x10880;
	[smem:$0x7E7] =	sst s26  }
0x30: {  	s20 =	simm.s32 $0x2880;
	s7 =	simm.s32 $0x11080;
	[smem:$0x7E9] =	sst s6  }
0x31: {  	s5 =	sshrl.u32 s0, $0x1;
	[smem:$0x7EA] =	sst s7;
	s21 =	simm.s32 $0x19080  }
0x32: {  	s4 =	sadd.s32 $0x100, s2;
	s22 =	simm.s32 $0x19880;
	[smem:$0x7F8] =	sst s21  }
0x33: {  	s1 =	simm.s32 $0xA;
	s23 =	simm.s32 $0x1A080;
	[smem:$0x7F9] =	sst s22  }
0x34: {  	s0 =	ssub.s32 s0, s5;
	s24 =	simm.s32 $0x1A880;
	[smem:$0x7FA] =	sst s23  }
0x35: {  	s5 =	sadd.s32 $0x200, s2;
	s25 =	simm.s32 $0x1B080;
	[smem:$0x7FB] =	sst s24  }
0x36: {  	s6 =	sadd.s32 $0x300, s2;
	s26 =	simm.s32 $0x1B880;
	[smem:$0x7FC] =	sst s25  }
0x37: {  	v2 =	vlaneseq.u32;
	s7 =	smax.u32 s0, $0x1;
	s22 =	simm.s32 $0x1;
	[smem:$0x7FD] =	sst s26  }
0x38: {  	vm0 =	vmmov $0xffff;
	v1 =	vshrl.u32 v2, $0x3;
	s25 =	simm.s32 $0x8;
	s0 =	simm.s32 $0x9;
	s21 =	simm.s32 $0x3080  }
0x39: {  	v0 =	vand.u32 $0x7, v2;
	v2 =	vor.u32 $0x8, v2;
	v1 =	vmul.u32 $0x8, v1;
	s23 =	simm.s32 $0x3880;
	s24 =	simm.s32 $0x8080;
	s26 =	simm.s32 $0xC080  }
.LBB2_1:
0x3a: {  	s14 =	rddreg [dreg:$0x4];
	s8 =	simm.s32 $0xF  }
0x3b: {  	[tilespmem:s3], [sflag:$0xF] =	stream.linear.gather [hbm4b:s14+s3], $0x80, $0x38;
	[tilespmem:$0x1C080] =	vst v63  }
0x3c: {  	_ =	swait.ge [sflag:s8], $0x80  }
0x3d: {  	[sflag:s8] =	ssyncset.done $0x0  }
0x3e: {  	[sflag:s8] =	ssyncadd.s32 $0xFFFFFF80  }
0x3f: {  	v3 =	vld [tilespmem:$0x0];
	_ =	sdelay $0x4  }
0x40: {  	v4 =	vshll.u32 v3, $0x3  }
0x41: {  	v3 =	vand.u32 $0x7, v3;
	v4 =	vand.u32 $0xFFFFFFC0, v4  }
0x42: {  	v3 =	vor.u32 v3, v4  }
0x43: {  	v4 =	vperm.xlane v3, v0;
	_ =	sdelay $0x1  }
0x44: {  	v4 =	vadd.s32 v1, v4;
	_ =	sdelay $0x4  }
0x45: {  	[tilespmem:s9], [sflag:$0x1] =	stream.indirect_vreg.gather [hbm4b:s2+s3], $0x80, v4, vm0, $0xb8;
	[tilespmem:$0x1C080] =	vst v63  }
0x46: {  	v3 =	vperm.xlane v3, v2  }
0x47: {  	[tilespmem:s16], [sflag:$0x1] =	stream.indirect_vreg.gather [hbm4b:s4+s3], $0x80, v4, vm0, $0xb8;
	[tilespmem:$0x1C080] =	vst v63  }
0x48: {  	v3 =	vadd.s32 v1, v3  }
0x49: {  	[tilespmem:s17], [sflag:$0x1] =	stream.indirect_vreg.gather [hbm4b:s5+s3], $0x80, v4, vm0, $0xb8;
	[tilespmem:$0x1C080] =	vst v63  }
0x4a: {  	_ = 	snop  }
0x4b: {  	[tilespmem:s18], [sflag:$0x1] =	stream.indirect_vreg.gather [hbm4b:s6+s3], $0x80, v4, vm0, $0xb8;
	[tilespmem:$0x1C080] =	vst v63  }
0x4c: {  	_ = 	snop  }
0x4d: {  	[tilespmem:s19], [sflag:$0x1] =	stream.indirect_vreg.gather [hbm4b:s2+s3], $0x80, v3, vm0, $0xb8;
	[tilespmem:$0x1C080] =	vst v63  }
0x4e: {  	_ = 	snop  }
0x4f: {  	[tilespmem:s20], [sflag:$0x1] =	stream.indirect_vreg.gather [hbm4b:s4+s3], $0x80, v3, vm0, $0xb8;
	[tilespmem:$0x1C080] =	vst v63  }
0x50: {  	_ = 	snop  }
0x51: {  	[tilespmem:s21], [sflag:$0x1] =	stream.indirect_vreg.gather [hbm4b:s5+s3], $0x80, v3, vm0, $0xb8;
	[tilespmem:$0x1C080] =	vst v63  }
0x52: {  	_ = 	snop  }
0x53: {  	[tilespmem:s23], [sflag:$0x1] =	stream.indirect_vreg.gather [hbm4b:s6+s3], $0x80, v3, vm0, $0xb8;
	[tilespmem:$0x1C080] =	vst v63  }
0x54: {  	v3 =	vld [tilespmem:$0x10];
	_ =	sdelay $0x4  }
0x55: {  	v57 =	vshll.u32 v3, $0x3  }
0x56: {  	v3 =	vand.u32 $0x7, v3;
	v4 =	vand.u32 $0xFFFFFFC0, v57  }
0x57: {  	v3 =	vor.u32 v3, v4  }
0x58: {  	v4 =	vperm.xlane v3, v0;
	_ =	sdelay $0x1  }
0x59: {  	v4 =	vadd.s32 v1, v4;
	_ =	sdelay $0x3  }
0x5a: {  	s8 =	simm.s32 $0x4080  }
0x5b: {  	[tilespmem:s8], [sflag:$0x2] =	stream.indirect_vreg.gather [hbm4b:s2+s3], $0x80, v4, vm0, $0xb8;
	[tilespmem:$0x1C080] =	vst v63  }
0x5c: {  	s14 =	rddreg [dreg:$0xd];
	v3 =	vperm.xlane v3, v2  }
0x5d: {  	[tilespmem:s14], [sflag:$0x2] =	stream.indirect_vreg.gather [hbm4b:s4+s3], $0x80, v4, vm0, $0xb8;
	[tilespmem:$0x1C080] =	vst v63  }
0x5e: {  	s15 =	rddreg [dreg:$0xe];
	v3 =	vadd.s32 v1, v3  }
0x5f: {  	[tilespmem:s15], [sflag:$0x2] =	stream.indirect_vreg.gather [hbm4b:s5+s3], $0x80, v4, vm0, $0xb8;
	[tilespmem:$0x1C080] =	vst v63  }
0x60: {  	s14 =	rddreg [dreg:$0xf]  }
0x61: {  	[tilespmem:s14], [sflag:$0x2] =	stream.indirect_vreg.gather [hbm4b:s6+s3], $0x80, v4, vm0, $0xb8;
	[tilespmem:$0x1C080] =	vst v63  }
0x62: {  	s15 =	rddreg [dreg:$0x10]  }
0x63: {  	[tilespmem:s15], [sflag:$0x2] =	stream.indirect_vreg.gather [hbm4b:s2+s3], $0x80, v3, vm0, $0xb8;
	[tilespmem:$0x1C080] =	vst v63  }
0x64: {  	s14 =	rddreg [dreg:$0x11]  }
0x65: {  	[tilespmem:s14], [sflag:$0x2] =	stream.indirect_vreg.gather [hbm4b:s4+s3], $0x80, v3, vm0, $0xb8;
	[tilespmem:$0x1C080] =	vst v63  }
0x66: {  	s15 =	rddreg [dreg:$0x12]  }
0x67: {  	[tilespmem:s15], [sflag:$0x2] =	stream.indirect_vreg.gather [hbm4b:s5+s3], $0x80, v3, vm0, $0xb8;
	[tilespmem:$0x1C080] =	vst v63  }
0x68: {  	s14 =	rddreg [dreg:$0x13]  }
0x69: {  	[tilespmem:s14], [sflag:$0x2] =	stream.indirect_vreg.gather [hbm4b:s6+s3], $0x80, v3, vm0, $0xb8;
	[tilespmem:$0x1C080] =	vst v63  }
0x6a: {  	v3 =	vld [tilespmem:$0x20];
	_ =	sdelay $0x4  }
0x6b: {  	v58 =	vshll.u32 v3, $0x3  }
0x6c: {  	v3 =	vand.u32 $0x7, v3;
	v4 =	vand.u32 $0xFFFFFFC0, v58  }
0x6d: {  	v3 =	vor.u32 v3, v4  }
0x6e: {  	v4 =	vperm.xlane v3, v0;
	_ =	sdelay $0x1  }
0x6f: {  	v4 =	vadd.s32 v1, v4;
	_ =	sdelay $0x4  }
0x70: {  	[tilespmem:s24], [sflag:$0x3] =	stream.indirect_vreg.gather [hbm4b:s2+s3], $0x80, v4, vm0, $0xb8;
	[tilespmem:$0x1C080] =	vst v63  }
0x71: {  	s14 =	rddreg [dreg:$0x14];
	v3 =	vperm.xlane v3, v2  }
0x72: {  	[tilespmem:s14], [sflag:$0x3] =	stream.indirect_vreg.gather [hbm4b:s4+s3], $0x80, v4, vm0, $0xb8;
	[tilespmem:$0x1C080] =	vst v63  }
0x73: {  	s15 =	rddreg [dreg:$0x15];
	v3 =	vadd.s32 v1, v3  }
0x74: {  	[tilespmem:s15], [sflag:$0x3] =	stream.indirect_vreg.gather [hbm4b:s5+s3], $0x80, v4, vm0, $0xb8;
	[tilespmem:$0x1C080] =	vst v63  }
0x75: {  	s14 =	rddreg [dreg:$0x16]  }
0x76: {  	[tilespmem:s14], [sflag:$0x3] =	stream.indirect_vreg.gather [hbm4b:s6+s3], $0x80, v4, vm0, $0xb8;
	[tilespmem:$0x1C080] =	vst v63  }
0x77: {  	s15 =	rddreg [dreg:$0x17]  }
0x78: {  	[tilespmem:s15], [sflag:$0x3] =	stream.indirect_vreg.gather [hbm4b:s2+s3], $0x80, v3, vm0, $0xb8;
	[tilespmem:$0x1C080] =	vst v63  }
0x79: {  	s14 =	rddreg [dreg:$0x18]  }
0x7a: {  	[tilespmem:s14], [sflag:$0x3] =	stream.indirect_vreg.gather [hbm4b:s4+s3], $0x80, v3, vm0, $0xb8;
	[tilespmem:$0x1C080] =	vst v63  }
0x7b: {  	s15 =	rddreg [dreg:$0x19]  }
0x7c: {  	[tilespmem:s15], [sflag:$0x3] =	stream.indirect_vreg.gather [hbm4b:s5+s3], $0x80, v3, vm0, $0xb8;
	[tilespmem:$0x1C080] =	vst v63  }
0x7d: {  	s14 =	rddreg [dreg:$0x1a]  }
0x7e: {  	[tilespmem:s14], [sflag:$0x3] =	stream.indirect_vreg.gather [hbm4b:s6+s3], $0x80, v3, vm0, $0xb8;
	[tilespmem:$0x1C080] =	vst v63  }
0x7f: {  	v3 =	vld [tilespmem:$0x30];
	_ =	sdelay $0x4  }
0x80: {  	v59 =	vshll.u32 v3, $0x3  }
0x81: {  	v3 =	vand.u32 $0x7, v3;
	v4 =	vand.u32 $0xFFFFFFC0, v59  }
0x82: {  	v3 =	vor.u32 v3, v4  }
0x83: {  	v4 =	vperm.xlane v3, v0;
	_ =	sdelay $0x1  }
0x84: {  	v4 =	vadd.s32 v1, v4;
	_ =	sdelay $0x3  }
0x85: {  	s15 =	rddreg [dreg:$0x1c]  }
0x86: {  	[tilespmem:s26], [sflag:$0x4] =	stream.indirect_vreg.gather [hbm4b:s2+s3], $0x80, v4, vm0, $0xb8;
	[tilespmem:$0x1C080] =	vst v63  }
0x87: {  	s14 =	rddreg [dreg:$0x1b];
	v3 =	vperm.xlane v3, v2  }
0x88: {  	[tilespmem:s14], [sflag:$0x4] =	stream.indirect_vreg.gather [hbm4b:s4+s3], $0x80, v4, vm0, $0xb8;
	[tilespmem:$0x1C080] =	vst v63  }
0x89: {  	v3 =	vadd.s32 v1, v3;
	s14 =	rddreg [dreg:$0x1d]  }
0x8a: {  	[tilespmem:s15], [sflag:$0x4] =	stream.indirect_vreg.gather [hbm4b:s5+s3], $0x80, v4, vm0, $0xb8;
	[tilespmem:$0x1C080] =	vst v63  }
0x8b: {  	s15 =	rddreg [dreg:$0x1e]  }
0x8c: {  	[tilespmem:s14], [sflag:$0x4] =	stream.indirect_vreg.gather [hbm4b:s6+s3], $0x80, v4, vm0, $0xb8;
	[tilespmem:$0x1C080] =	vst v63  }
0x8d: {  	s14 =	rddreg [dreg:$0x1f]  }
0x8e: {  	[tilespmem:s15], [sflag:$0x4] =	stream.indirect_vreg.gather [hbm4b:s2+s3], $0x80, v3, vm0, $0xb8;
	[tilespmem:$0x1C080] =	vst v63  }
0x8f: {  	s15 =	sld [smem:$0x7E7]  }
0x90: {  	[tilespmem:s14], [sflag:$0x4] =	stream.indirect_vreg.gather [hbm4b:s4+s3], $0x80, v3, vm0, $0xb8;
	[tilespmem:$0x1C080] =	vst v63  }
0x91: {  	s14 =	sld [smem:$0x7E8]  }
0x92: {  	[tilespmem:s15], [sflag:$0x4] =	stream.indirect_vreg.gather [hbm4b:s5+s3], $0x80, v3, vm0, $0xb8;
	[tilespmem:$0x1C080] =	vst v63  }
0x93: {  	_ = 	snop  }
0x94: {  	[tilespmem:s14], [sflag:$0x4] =	stream.indirect_vreg.gather [hbm4b:s6+s3], $0x80, v3, vm0, $0xb8;
	[tilespmem:$0x1C080] =	vst v63  }
0x95: {  	v3 =	vld [tilespmem:$0x40];
	_ =	sdelay $0x4  }
0x96: {  	v60 =	vshll.u32 v3, $0x3  }
0x97: {  	v3 =	vand.u32 $0x7, v3;
	v4 =	vand.u32 $0xFFFFFFC0, v60  }
0x98: {  	v3 =	vor.u32 v3, v4  }
0x99: {  	v4 =	vperm.xlane v3, v0;
	_ =	sdelay $0x1  }
0x9a: {  	v4 =	vadd.s32 v1, v4;
	_ =	sdelay $0x3  }
0x9b: {  	s14 =	sld [smem:$0x7E9]  }
0x9c: {  	[tilespmem:s28], [sflag:$0x5] =	stream.indirect_vreg.gather [hbm4b:s2+s3], $0x80, v4, vm0, $0xb8;
	[tilespmem:$0x1C080] =	vst v63  }
0x9d: {  	s15 =	sld [smem:$0x7EA];
	v3 =	vperm.xlane v3, v2  }
0x9e: {  	[tilespmem:s14], [sflag:$0x5] =	stream.indirect_vreg.gather [hbm4b:s4+s3], $0x80, v4, vm0, $0xb8;
	[tilespmem:$0x1C080] =	vst v63  }
0x9f: {  	v3 =	vadd.s32 v1, v3;
	s14 =	sld [smem:$0x7EB]  }
0xa0: {  	[tilespmem:s15], [sflag:$0x5] =	stream.indirect_vreg.gather [hbm4b:s5+s3], $0x80, v4, vm0, $0xb8;
	[tilespmem:$0x1C080] =	vst v63  }
0xa1: {  	s15 =	sld [smem:$0x7EC]  }
0xa2: {  	[tilespmem:s14], [sflag:$0x5] =	stream.indirect_vreg.gather [hbm4b:s6+s3], $0x80, v4, vm0, $0xb8;
	[tilespmem:$0x1C080] =	vst v63  }
0xa3: {  	s14 =	sld [smem:$0x7ED]  }
0xa4: {  	[tilespmem:s15], [sflag:$0x5] =	stream.indirect_vreg.gather [hbm4b:s2+s3], $0x80, v3, vm0, $0xb8;
	[tilespmem:$0x1C080] =	vst v63  }
0xa5: {  	s15 =	sld [smem:$0x7EE]  }
0xa6: {  	[tilespmem:s14], [sflag:$0x5] =	stream.indirect_vreg.gather [hbm4b:s4+s3], $0x80, v3, vm0, $0xb8;
	[tilespmem:$0x1C080] =	vst v63  }
0xa7: {  	s14 =	sld [smem:$0x7EF]  }
0xa8: {  	[tilespmem:s15], [sflag:$0x5] =	stream.indirect_vreg.gather [hbm4b:s5+s3], $0x80, v3, vm0, $0xb8;
	[tilespmem:$0x1C080] =	vst v63  }
0xa9: {  	_ = 	snop  }
0xaa: {  	[tilespmem:s14], [sflag:$0x5] =	stream.indirect_vreg.gather [hbm4b:s6+s3], $0x80, v3, vm0, $0xb8;
	[tilespmem:$0x1C080] =	vst v63  }
0xab: {  	v3 =	vld [tilespmem:$0x50];
	_ =	sdelay $0x4  }
0xac: {  	v61 =	vshll.u32 v3, $0x3  }
0xad: {  	v3 =	vand.u32 $0x7, v3;
	v4 =	vand.u32 $0xFFFFFFC0, v61  }
0xae: {  	v3 =	vor.u32 v3, v4  }
0xaf: {  	v4 =	vperm.xlane v3, v0;
	_ =	sdelay $0x1  }
0xb0: {  	v4 =	vadd.s32 v1, v4;
	_ =	sdelay $0x3  }
0xb1: {  	s14 =	sld [smem:$0x7F0]  }
0xb2: {  	[tilespmem:s29], [sflag:$0x6] =	stream.indirect_vreg.gather [hbm4b:s2+s3], $0x80, v4, vm0, $0xb8;
	[tilespmem:$0x1C080] =	vst v63  }
0xb3: {  	s15 =	sld [smem:$0x7F1];
	v3 =	vperm.xlane v3, v2  }
0xb4: {  	[tilespmem:s14], [sflag:$0x6] =	stream.indirect_vreg.gather [hbm4b:s4+s3], $0x80, v4, vm0, $0xb8;
	[tilespmem:$0x1C080] =	vst v63  }
0xb5: {  	v3 =	vadd.s32 v1, v3;
	s14 =	sld [smem:$0x7F2]  }
0xb6: {  	[tilespmem:s15], [sflag:$0x6] =	stream.indirect_vreg.gather [hbm4b:s5+s3], $0x80, v4, vm0, $0xb8;
	[tilespmem:$0x1C080] =	vst v63  }
0xb7: {  	s15 =	sld [smem:$0x7F3]  }
0xb8: {  	[tilespmem:s14], [sflag:$0x6] =	stream.indirect_vreg.gather [hbm4b:s6+s3], $0x80, v4, vm0, $0xb8;
	[tilespmem:$0x1C080] =	vst v63  }
0xb9: {  	s14 =	sld [smem:$0x7F4]  }
0xba: {  	[tilespmem:s15], [sflag:$0x6] =	stream.indirect_vreg.gather [hbm4b:s2+s3], $0x80, v3, vm0, $0xb8;
	[tilespmem:$0x1C080] =	vst v63  }
0xbb: {  	s15 =	sld [smem:$0x7F5]  }
0xbc: {  	[tilespmem:s14], [sflag:$0x6] =	stream.indirect_vreg.gather [hbm4b:s4+s3], $0x80, v3, vm0, $0xb8;
	[tilespmem:$0x1C080] =	vst v63  }
0xbd: {  	s14 =	sld [smem:$0x7F6]  }
0xbe: {  	[tilespmem:s15], [sflag:$0x6] =	stream.indirect_vreg.gather [hbm4b:s5+s3], $0x80, v3, vm0, $0xb8;
	[tilespmem:$0x1C080] =	vst v63  }
0xbf: {  	_ = 	snop  }
0xc0: {  	[tilespmem:s14], [sflag:$0x6] =	stream.indirect_vreg.gather [hbm4b:s6+s3], $0x80, v3, vm0, $0xb8;
	[tilespmem:$0x1C080] =	vst v63  }
0xc1: {  	_ =	swait.ge [sflag:s22], $0x4000  }
0xc2: {  	[sflag:s22] =	ssyncset.done $0x0  }
0xc3: {  	s15 =	rddreg [dreg:$0x5];
	[sflag:s22] =	ssyncadd.s32 $0xFFFFC000  }
0xc4: {  	[hbm4b:s15+s3] =	stream.linear.scatter [tilespmem:s9], [sflag:$0x8], $0x4000, $0x38;
	[tilespmem:$0x1C080] =	vst v63  }
0xc5: {  	v3 =	vld [tilespmem:$0x60];
	_ =	sdelay $0x4  }
0xc6: {  	v62 =	vshll.u32 v3, $0x3  }
0xc7: {  	v3 =	vand.u32 $0x7, v3;
	v4 =	vand.u32 $0xFFFFFFC0, v62  }
0xc8: {  	v3 =	vor.u32 v3, v4  }
0xc9: {  	v4 =	vperm.xlane v3, v0;
	_ =	sdelay $0x1  }
0xca: {  	v4 =	vadd.s32 v1, v4;
	_ =	sdelay $0x3  }
0xcb: {  	s14 =	sld [smem:$0x7F7]  }
0xcc: {  	[tilespmem:s30], [sflag:$0x7] =	stream.indirect_vreg.gather [hbm4b:s2+s3], $0x80, v4, vm0, $0xb8;
	[tilespmem:$0x1C080] =	vst v63  }
0xcd: {  	s15 =	sld [smem:$0x7F8];
	v3 =	vperm.xlane v3, v2  }
0xce: {  	[tilespmem:s14], [sflag:$0x7] =	stream.indirect_vreg.gather [hbm4b:s4+s3], $0x80, v4, vm0, $0xb8;
	[tilespmem:$0x1C080] =	vst v63  }
0xcf: {  	v3 =	vadd.s32 v1, v3;
	s14 =	sld [smem:$0x7F9]  }
0xd0: {  	[tilespmem:s15], [sflag:$0x7] =	stream.indirect_vreg.gather [hbm4b:s5+s3], $0x80, v4, vm0, $0xb8;
	[tilespmem:$0x1C080] =	vst v63  }
0xd1: {  	s15 =	sld [smem:$0x7FA]  }
0xd2: {  	[tilespmem:s14], [sflag:$0x7] =	stream.indirect_vreg.gather [hbm4b:s6+s3], $0x80, v4, vm0, $0xb8;
	[tilespmem:$0x1C080] =	vst v63  }
0xd3: {  	s14 =	sld [smem:$0x7FB]  }
0xd4: {  	[tilespmem:s15], [sflag:$0x7] =	stream.indirect_vreg.gather [hbm4b:s2+s3], $0x80, v3, vm0, $0xb8;
	[tilespmem:$0x1C080] =	vst v63  }
0xd5: {  	s15 =	sld [smem:$0x7FC]  }
0xd6: {  	[tilespmem:s14], [sflag:$0x7] =	stream.indirect_vreg.gather [hbm4b:s4+s3], $0x80, v3, vm0, $0xb8;
	[tilespmem:$0x1C080] =	vst v63  }
0xd7: {  	s14 =	sld [smem:$0x7FD]  }
0xd8: {  	[tilespmem:s15], [sflag:$0x7] =	stream.indirect_vreg.gather [hbm4b:s5+s3], $0x80, v3, vm0, $0xb8;
	[tilespmem:$0x1C080] =	vst v63  }
0xd9: {  	s15 =	simm.s32 $0x2  }
0xda: {  	[tilespmem:s14], [sflag:$0x7] =	stream.indirect_vreg.gather [hbm4b:s6+s3], $0x80, v3, vm0, $0xb8;
	[tilespmem:$0x1C080] =	vst v63  }
0xdb: {  	_ =	swait.ge [sflag:s15], $0x4000  }
0xdc: {  	[sflag:s15] =	ssyncset.done $0x0  }
0xdd: {  	s14 =	rddreg [dreg:$0x6];
	[sflag:s15] =	ssyncadd.s32 $0xFFFFC000  }
0xde: {  	[hbm4b:s14+s3] =	stream.linear.scatter [tilespmem:s8], [sflag:$0x9], $0x4000, $0x38;
	[tilespmem:$0x1C080] =	vst v63  }
0xdf: {  	_ =	swait.ge [sflag:s25], $0x4000  }
0xe0: {  	[sflag:s25] =	ssyncset.done $0x0  }
0xe1: {  	[sflag:s25] =	ssyncadd.s32 $0xFFFFC000  }
0xe2: {  	v3 =	vld [tilespmem:$0x70];
	_ =	sdelay $0x4  }
0xe3: {  	v63 =	vshll.u32 v3, $0x3  }
0xe4: {  	v3 =	vand.u32 $0x7, v3;
	v4 =	vand.u32 $0xFFFFFFC0, v63  }
0xe5: {  	v3 =	vor.u32 v3, v4  }
0xe6: {  	v4 =	vperm.xlane v3, v0;
	_ =	sdelay $0x1  }
0xe7: {  	v4 =	vadd.s32 v1, v4;
	_ =	sdelay $0x4  }
0xe8: {  	[tilespmem:s9], [sflag:$0x1] =	stream.indirect_vreg.gather [hbm4b:s2+s3], $0x80, v4, vm0, $0xb8;
	[tilespmem:$0x1C080] =	vst v63  }
0xe9: {  	v3 =	vperm.xlane v3, v2  }
0xea: {  	[tilespmem:s16], [sflag:$0x1] =	stream.indirect_vreg.gather [hbm4b:s4+s3], $0x80, v4, vm0, $0xb8;
	[tilespmem:$0x1C080] =	vst v63  }
0xeb: {  	v3 =	vadd.s32 v1, v3  }
0xec: {  	[tilespmem:s17], [sflag:$0x1] =	stream.indirect_vreg.gather [hbm4b:s5+s3], $0x80, v4, vm0, $0xb8;
	[tilespmem:$0x1C080] =	vst v63  }
0xed: {  	_ = 	snop  }
0xee: {  	[tilespmem:s18], [sflag:$0x1] =	stream.indirect_vreg.gather [hbm4b:s6+s3], $0x80, v4, vm0, $0xb8;
	[tilespmem:$0x1C080] =	vst v63  }
0xef: {  	_ = 	snop  }
0xf0: {  	[tilespmem:s19], [sflag:$0x1] =	stream.indirect_vreg.gather [hbm4b:s2+s3], $0x80, v3, vm0, $0xb8;
	[tilespmem:$0x1C080] =	vst v63  }
0xf1: {  	_ = 	snop  }
0xf2: {  	[tilespmem:s20], [sflag:$0x1] =	stream.indirect_vreg.gather [hbm4b:s4+s3], $0x80, v3, vm0, $0xb8;
	[tilespmem:$0x1C080] =	vst v63  }
0xf3: {  	_ = 	snop  }
0xf4: {  	[tilespmem:s21], [sflag:$0x1] =	stream.indirect_vreg.gather [hbm4b:s5+s3], $0x80, v3, vm0, $0xb8;
	[tilespmem:$0x1C080] =	vst v63  }
0xf5: {  	s14 =	simm.s32 $0x3  }
0xf6: {  	[tilespmem:s23], [sflag:$0x1] =	stream.indirect_vreg.gather [hbm4b:s6+s3], $0x80, v3, vm0, $0xb8;
	[tilespmem:$0x1C080] =	vst v63  }
0xf7: {  	_ =	swait.ge [sflag:s14], $0x4000  }
0xf8: {  	[sflag:s14] =	ssyncset.done $0x0  }
0xf9: {  	s15 =	rddreg [dreg:$0x7];
	[sflag:s14] =	ssyncadd.s32 $0xFFFFC000;
	s14 =	simm.s32 $0x4  }
0xfa: {  	[hbm4b:s15+s3] =	stream.linear.scatter [tilespmem:s24], [sflag:$0xA], $0x4000, $0x38;
	[tilespmem:$0x1C080] =	vst v63  }
0xfb: {  	_ =	swait.ge [sflag:s14], $0x4000  }
0xfc: {  	[sflag:s14] =	ssyncset.done $0x0  }
0xfd: {  	s15 =	rddreg [dreg:$0x8];
	[sflag:s14] =	ssyncadd.s32 $0xFFFFC000;
	s14 =	simm.s32 $0x5  }
0xfe: {  	[hbm4b:s15+s3] =	stream.linear.scatter [tilespmem:s26], [sflag:$0xB], $0x4000, $0x38;
	[tilespmem:$0x1C080] =	vst v63  }
0xff: {  	_ =	swait.ge [sflag:s14], $0x4000  }
0x100: {  	[sflag:s14] =	ssyncset.done $0x0  }
0x101: {  	s15 =	rddreg [dreg:$0x9];
	[sflag:s14] =	ssyncadd.s32 $0xFFFFC000;
	s14 =	simm.s32 $0x6  }
0x102: {  	[hbm4b:s15+s3] =	stream.linear.scatter [tilespmem:s28], [sflag:$0xC], $0x4000, $0x38;
	[tilespmem:$0x1C080] =	vst v63  }
0x103: {  	_ =	swait.ge [sflag:s14], $0x4000  }
0x104: {  	[sflag:s14] =	ssyncset.done $0x0  }
0x105: {  	s15 =	rddreg [dreg:$0xa];
	[sflag:s14] =	ssyncadd.s32 $0xFFFFC000  }
0x106: {  	[hbm4b:s15+s3] =	stream.linear.scatter [tilespmem:s29], [sflag:$0xD], $0x4000, $0x38;
	[tilespmem:$0x1C080] =	vst v63  }
0x107: {  	_ =	swait.ge [sflag:s31], $0x4000  }
0x108: {  	[sflag:s31] =	ssyncset.done $0x0  }
0x109: {  	s8 =	rddreg [dreg:$0xb];
	[sflag:s31] =	ssyncadd.s32 $0xFFFFC000  }
0x10a: {  	[hbm4b:s8+s3] =	stream.linear.scatter [tilespmem:s30], [sflag:$0xE], $0x4000, $0x38;
	[tilespmem:$0x1C080] =	vst v63  }
0x10b: {  	_ =	swait.ge [sflag:s22], $0x4000  }
0x10c: {  	[sflag:s22] =	ssyncset.done $0x0  }
0x10d: {  	s15 =	rddreg [dreg:$0xc];
	[sflag:s22] =	ssyncadd.s32 $0xFFFFC000  }
0x10e: {  	[hbm4b:s15+s3] =	stream.linear.scatter [tilespmem:s9], [sflag:$0x8], $0x4000, $0x38;
	[tilespmem:$0x1C080] =	vst v63  }
0x10f: {  	_ =	swait.ge [sflag:s0], $0x4000  }
0x110: {  	[sflag:s0] =	ssyncset.done $0x0  }
0x111: {  	[sflag:s0] =	ssyncadd.s32 $0xFFFFC000  }
0x112: {  	_ =	swait.ge [sflag:s1], $0x4000  }
0x113: {  	[sflag:s1] =	ssyncset.done $0x0  }
0x114: {  	[sflag:s1] =	ssyncadd.s32 $0xFFFFC000  }
0x115: {  	_ =	swait.ge [sflag:s10], $0x4000  }
0x116: {  	[sflag:s10] =	ssyncset.done $0x0  }
0x117: {  	[sflag:s10] =	ssyncadd.s32 $0xFFFFC000  }
0x118: {  	_ =	swait.ge [sflag:s11], $0x4000  }
0x119: {  	[sflag:s11] =	ssyncset.done $0x0  }
0x11a: {  	[sflag:s11] =	ssyncadd.s32 $0xFFFFC000  }
0x11b: {  	_ =	swait.ge [sflag:s12], $0x4000  }
0x11c: {  	[sflag:s12] =	ssyncset.done $0x0  }
0x11d: {  	[sflag:s12] =	ssyncadd.s32 $0xFFFFC000  }
0x11e: {  	p0 =	sne.s32 s7, $0x1;
	_ =	swait.ge [sflag:s13], $0x4000  }
.Ltmp0:
0x11f: {  	[sflag:s13] =	ssyncset.done $0x0;
	(pc) =	sbr.rel @p0 .LBB2_1-.Ltmp0, $4  }
0x120: {  	[sflag:s13] =	ssyncadd.s32 $0xFFFFC000  }
0x121: {  	_ =	swait.ge [sflag:s25], $0x4000  }
0x122: {  	[sflag:s25] =	ssyncset.done $0x0  }
0x123: {  	s7 =	sadd.s32 $0xFFFFFFFF, s7;
	[sflag:s25] =	ssyncadd.s32 $0xFFFFC000  }
0x124: {  	_ =	sfence.sel $0x180000  }
0x125: {  	[bflag:$0x0] =	sbarrier.arrive $0xFFFF  }
0x126: {  	_ =	strace $0x90000047  }
0x127: {  	s0 =	stileid.u32;
	[bflag:$0x2] =	sbarrier.arrive $0xFFFF  }
0x128: {  	p0 =	sne.s32 s0, $0x0;
	s0 =	rddreg [dreg:$0x3]  }
0x129: {  	s0 =	sadd.s32 @!p0 $0x100000, s0  }
0x12a: {  	[sflag:s0] =	ssyncadd.tile.s32 @!p0 $0x1;
	_ =	shalt  }
.Lfunc_end2:
_tile_overlayer_lowered:
.L_overlay_start_2:
0x12b: {  	(tag) =	ssettag $0x2  }
0x12c: {  	s0 =	rddreg [dreg:$0x0];
	s2 =	stileid.u32  }
0x12d: {  	s1 =	rddreg [dreg:$0x1];
	p0 =	sne.s32 s2, $0x0  }
0x12e: {  	s3 =	rddreg [dreg:$0x2];
	[bflag:$0x3] =	sbarrier.arrive $0xFFFF;
	s2 =	simm.s32 @!p0 $0x1C0F  }
0x12f: {  	[timem:s3], [sflag:s2] =	dma.local @!p0 [hbm:s0], s1  }
0x130: {  	s0 =	simm.s32 @!p0 $0xF  }
0x131: {  	_ =	swait.ge @!p0 [sflag:s0], s1  }
0x132: {  	s1 =	ssub.s32 @!p0 $0x0, s1;
	[sflag:s0] =	ssyncset.done @!p0 $0x0  }
0x133: {  	[sflag:s0] =	ssyncadd.s32 @!p0 s1  }
0x134: {  	[bflag:$0x3] =	sbarrier.arrive $0xFFFF  }
0x135: {  	_ =	shalt  }

// kernel: kernel.9.cloned.1.call-start
scs
__scs_entry_jumppad:
0x0: {  	(pc) =	sbr.rel $0x88, $3  }
0x1: {  	(tag) =	ssettag $0x0;
	lr =	simm.s32 $0x1  }
0x2: {  	[smem:$0x3F9A] =	sst lr;
	_ =	strace $0xD0000000  }
0x3: {  	_ = 	snop  }
0x4: {  	_ = 	snop  }
0x5: {  	_ = 	snop  }
0x6: {  	_ = 	snop  }
0x7: {  	_ = 	snop  }
__scs_overlays_trampoline_lowered:
0x8: {  	[smem:$0x3FA9] =	sst s0  }
0x9: {  	[smem:$0x3FAA] =	sst s1  }
0xa: {  	[smem:$0x3FAB] =	sst s2  }
0xb: {  	[smem:$0x3FAC] =	sst s3  }
0xc: {  	[smem:$0x3FAD] =	sst s4  }
0xd: {  	[smem:$0x3FAE] =	sst s5  }
0xe: {  	[smem:$0x3FAF] =	sst s6  }
0xf: {  	[smem:$0x3FB0] =	sst s7  }
0x10: {  	[smem:$0x3FB1] =	sst s8  }
0x11: {  	[smem:$0x3FB2] =	sst s9;
	s0 =	simm.s32 @!p0 $0x0  }
0x12: {  	s1 =	sld [smem:$0x3F98];
	s0 =	simm.s32 @p0 $0x1  }
0x13: {  	[smem:$0x3FB3] =	sst s0;
	s0 =	simm.s32 @!p1 $0x0  }
0x14: {  	s2 =	sld [smem:$0x3F97];
	s0 =	simm.s32 @p1 $0x1  }
0x15: {  	[smem:$0x3FB4] =	sst s0;
	s0 =	simm.s32 @!p2 $0x0  }
0x16: {  	s3 =	sld [smem:$0x3FDB];
	s0 =	simm.s32 @p2 $0x1  }
0x17: {  	s4 =	simm.s32 $0x1BF5;
	[smem:$0x3FB6] =	sst s0  }
0x18: {  	s0 =	sld [smem:$0x3F99];
	_ =	swait.ge [sflag:s4], $0x0  }
0x19: {  	s7 =	sld [smem:$0x3F9A]  }
0x1a: {  	s8 =	sadd.s32 $0xFFFFE003, lr  }
0x1b: {  	s9 =	sadd.s32 $0xFFFFFEF7, lr;
	s5 =	simm.s32 $0xFFFFFFFF;
	p2 =	slt.u32 s8, $0xFFFFF086  }
0x1c: {  	p1 =	slt.u32 s9, $0xF7A;
	s5 =	simm.s32 @!p2 $0x0  }
0x1d: {  	s5 =	simm.s32 @p1 $0x1;
	p0 =	seq.s32 s7, s2  }
0x1e: {  	s7 =	smul.u32 @!p0 $0xF7A, s2;
	p2 =	seq.s32 @!p0 s5, $0x0  }
0x1f: {  	s9 =	smul.u32 $0xF7A, s1;
	s8 =	simm.s32 @!p0 $0x1BF5;
	p2 =	por !p2, p0  }
0x20: {  	[sflag:s8] =	ssyncset.s32 @!p0 $0xFFFFF086;
	s6 =	sadd.s32 @!p0 s3, s7;
	s7 =	simm.s32 @!p0 $0x108  }
0x21: {  	s3 =	sadd.s32 s3, s9;
	s6 =	sadd.s32 @!p0 $0x88, s6;
	s7 =	simm.s32 @p2 $0x1082  }
0x22: {  	[simem:s7], [sflag:s8] =	dma.local @!p0 [hbm:s6], $0xF7A  }
0x23: {  	s9 =	sor.u32 $0xD0000000, s2;
	s6 =	simm.s32 $0x108;
	_ =	swait.ge @!p0 [sflag:s8], $0x0  }
0x24: {  	s3 =	sadd.s32 $0x88, s3;
	s6 =	simm.s32 @!p1 $0x1082;
	[sflag:s4] =	ssyncset.s32 $0xFFFFF086  }
0x25: {  	[simem:s6], [sflag:s4] =	dma.local [hbm:s3], $0xF7A  }
0x26: {  	[smem:$0x3F9A] =	sst s1;
	(tag) =	ssettag s2;
	_ =	strace s9  }
0x27: {  	s1 =	sld [smem:$0x3FAA]  }
0x28: {  	s2 =	sld [smem:$0x3FAB]  }
0x29: {  	s4 =	sld [smem:$0x3FAD]  }
0x2a: {  	p0 =	seq.s32 s5, $0x0;
	s5 =	sld [smem:$0x3FAE]  }
0x2b: {  	s6 =	sld [smem:$0x3FAF]  }
0x2c: {  	s7 =	sld [smem:$0x3FB0]  }
0x2d: {  	s3 =	simm.s32 $0x108;
	s8 =	sld [smem:$0x3FB1]  }
0x2e: {  	s3 =	simm.s32 @!p0 $0x1082;
	s9 =	sld [smem:$0x3FB2]  }
0x2f: {  	lr =	sadd.s32 s0, s3;
	s0 =	sld [smem:$0x3FA9]  }
0x30: {  	s3 =	sld [smem:$0x3FAC]  }
0x31: {  	[smem:$0x3FB5] =	sst s10  }
0x32: {  	s10 =	sld [smem:$0x3FB3];
	_ =	sdelay $0x3  }
0x33: {  	p0 =	seq.s32 s10, $0x1;
	s10 =	sld [smem:$0x3FB5];
	_ =	sdelay $0x3  }
0x34: {  	[smem:$0x3FB5] =	sst s10  }
0x35: {  	s10 =	sld [smem:$0x3FB4];
	_ =	sdelay $0x3  }
0x36: {  	p1 =	seq.s32 s10, $0x1;
	s10 =	sld [smem:$0x3FB5];
	_ =	sdelay $0x3  }
0x37: {  	[smem:$0x3FB5] =	sst s10  }
0x38: {  	s10 =	sld [smem:$0x3FB6]  }
0x39: {  	_ = 	snop;
	(pc) =	sbr.ind lr, $3  }
0x3a: {  	_ = 	snop  }
0x3b: {  	_ = 	snop  }
0x3c: {  	p2 =	seq.s32 s10, $0x1;
	s10 =	sld [smem:$0x3FB5]  }
0x3d: {  	_ =	shalt  }
0x3e: {  	_ =	shalt  }
0x3f: {  	_ =	shalt  }
0x40: {  	_ =	shalt  }
0x41: {  	_ =	shalt  }
0x42: {  	_ =	shalt  }
0x43: {  	_ =	shalt  }
0x44: {  	_ =	shalt  }
0x45: {  	_ =	shalt  }
0x46: {  	_ =	shalt  }
0x47: {  	_ =	shalt  }
0x48: {  	_ =	shalt  }
0x49: {  	_ =	shalt  }
0x4a: {  	_ =	shalt  }
0x4b: {  	_ =	shalt  }
0x4c: {  	_ =	shalt  }
0x4d: {  	_ =	shalt  }
0x4e: {  	_ =	shalt  }
0x4f: {  	_ =	shalt  }
0x50: {  	_ =	shalt  }
0x51: {  	_ =	shalt  }
0x52: {  	_ =	shalt  }
0x53: {  	_ =	shalt  }
0x54: {  	_ =	shalt  }
0x55: {  	_ =	shalt  }
0x56: {  	_ =	shalt  }
0x57: {  	_ =	shalt  }
0x58: {  	_ =	shalt  }
0x59: {  	_ =	shalt  }
0x5a: {  	_ =	shalt  }
0x5b: {  	_ =	shalt  }
0x5c: {  	_ =	shalt  }
0x5d: {  	_ =	shalt  }
0x5e: {  	_ =	shalt  }
0x5f: {  	_ =	shalt  }
0x60: {  	_ =	shalt  }
0x61: {  	_ =	shalt  }
0x62: {  	_ =	shalt  }
0x63: {  	_ =	shalt  }
0x64: {  	_ =	shalt  }
0x65: {  	_ =	shalt  }
0x66: {  	_ =	shalt  }
0x67: {  	_ =	shalt  }
0x68: {  	_ =	shalt  }
0x69: {  	_ =	shalt  }
0x6a: {  	_ =	shalt  }
0x6b: {  	_ =	shalt  }
0x6c: {  	_ =	shalt  }
0x6d: {  	_ =	shalt  }
0x6e: {  	_ =	shalt  }
0x6f: {  	_ =	shalt  }
0x70: {  	_ =	shalt  }
0x71: {  	_ =	shalt  }
0x72: {  	_ =	shalt  }
0x73: {  	_ =	shalt  }
0x74: {  	_ =	shalt  }
0x75: {  	_ =	shalt  }
0x76: {  	_ =	shalt  }
0x77: {  	_ =	shalt  }
0x78: {  	_ =	shalt  }
0x79: {  	_ =	shalt  }
0x7a: {  	_ =	shalt  }
0x7b: {  	_ =	shalt  }
0x7c: {  	_ =	shalt  }
0x7d: {  	_ =	shalt  }
0x7e: {  	_ =	shalt  }
0x7f: {  	_ =	shalt  }
0x80: {  	_ =	shalt  }
0x81: {  	_ =	shalt  }
0x82: {  	_ =	shalt  }
0x83: {  	_ =	shalt  }
0x84: {  	_ =	shalt  }
0x85: {  	_ =	shalt  }
0x86: {  	_ =	shalt  }
0x87: {  	_ =	shalt  }
.Lfunc_end0:
.L_simem_size_0:
called_computation.1_lowered:
.L_overlay_start_0:
0x88: {  	s2 =	sld [smem:$0x3FD9]  }
0x89: {  	s3 =	sld [smem:$0x3FFE];
	_ =	sdelay $0x1  }
0x8a: {  	s1 =	srdreg.scid  }
0x8b: {  	s0 =	sand.u32 $0x1, s1  }
0x8c: {  	s17 =	sshll.u32 s0, $0xA;
	s2 =	sadd.s32 s3, s2  }
0x8d: {  	s2 =	sadd.s32 s2, s17  }
0x8e: {  	[smem:$0x3FC1] =	sst s2  }
0x8f: {  	_ = 	snop  }
0x90: {  	s18 =	sld [smem:$0x3FC9]  }
0x91: {  	s4 =	sld [smem:$0x3FC7];
	(tm) =	ssettm $0x1  }
0x92: {  	s19 =	sld [smem:$0x3FFB];
	_ =	sdelay $0x3  }
0x93: {  	_ =	strace s19  }
0x94: {  	s2 =	sld [smem:$0x3FFC];
	_ =	sdelay $0x3  }
0x95: {  	_ =	strace s2  }
0x96: {  	s2 =	sld [smem:$0x3FFD];
	_ =	sdelay $0x3  }
0x97: {  	_ =	strace s2  }
0x98: {  	_ =	strace $0x8FFFFFFF  }
0x99: {  	s20 =	sld [smem:$0x3FDB];
	_ =	sdelay $0x1  }
0x9a: {  	s5 =	simm.s32 $_scs_section_size  }
0x9b: {  	s6 =	simm.s32 $_size__tile_overlayer_lowered;
	s7 =	simm.s32 $_tile_overlayer_lowered  }
0x9c: {  	s8 =	simm.s32 $0x1BFF;
	s21 =	sshll.u32 s7, $0x1;
	s5 =	sadd.s32 s5, s20  }
0x9d: {  	s22 =	simm.s32 $0x0;
	s6 =	sshll.u32 s6, $0x1;
	s7 =	sadd.s32 s21, s5  }
0x9e: {  	[timem:s22], [sflag:s8] =	dma.local [hbm:s7], s6  }
0x9f: {  	_ =	swait.ge [sflag:s8], s6  }
0xa0: {  	s6 =	ssub.s32 $0x0, s6;
	[sflag:s8] =	ssyncset.done $0x0  }
0xa1: {  	[sflag:s8] =	ssyncadd.s32 s6;
	_ =	sdelay $0x1  }
0xa2: {  	s23 =	simm.s32 $0x1B8B  }
0xa3: {  	_ =	swait.ge [sflag:s23], $0x1  }
0xa4: {  	[sflag:s23] =	ssyncset.done $0x0  }
0xa5: {  	[sflag:s23] =	ssyncadd.s32 $0xFFFFFFFF  }
0xa6: {  	s6 =	sld [smem:$0x0]  }
0xa7: {  	s7 =	sand.u32 $0xFFFFFFFE, s1  }
0xa8: {  	p0 =	sne.s32 s1, s7  }
0xa9: {  	s7 =	sshll.u32 @p0 s7, $0xE  }
0xaa: {  	s7 =	sadd.s32 @p0 $0x11B8D, s7;
	s8 =	sshll.u32 @p0 s6, $0x11  }
0xab: {  	s7 =	sor.u32 @p0 s8, s7  }
0xac: {  	[sflag:s7] =	ssyncadd.remote.s32 @p0 $0x1;
	_ =	sdelay $0x1  }
0xad: {  	s7 =	simm.s32 @p0 $0x1B8D  }
0xae: {  	_ =	swait.eq @p0 [sflag:s7], $0x1  }
0xaf: {  	[sflag:s7] =	ssyncadd.s32 @p0 $0xFFFFFFFF  }
0xb0: {  	s8 =	sshll.u32 @!p0 s1, $0xE  }
0xb1: {  	s8 =	sor.u32 @!p0 $0x4000, s8;
	s7 =	simm.s32 @!p0 $0x1B8D  }
0xb2: {  	s6 =	sshll.u32 @!p0 s6, $0x11;
	s8 =	sadd.s32 @!p0 $0x11B8D, s8;
	_ =	swait.eq @!p0 [sflag:s7], $0x1  }
0xb3: {  	s6 =	sor.u32 @!p0 s6, s8;
	[sflag:s7] =	ssyncadd.s32 @!p0 $0xFFFFFFFF  }
0xb4: {  	s25 =	simm.s32 $0x1B8E;
	s24 =	sld [smem:$0x3FFE];
	[sflag:s6] =	ssyncadd.remote.s32 @!p0 $0x1  }
0xb5: {  	s26 =	simm.s32 $execute0_lowered;
	[smem:$0x3FD2] =	sst s25  }
0xb6: {  	s7 =	sshll.u32 s26, $0x1;
	_ =	strace $0x80000049;
	[dreg:$0x1] =	wrdreg $0xFFFFFFFF  }
0xb7: {  	s28 =	simm.s32 $_size_execute0_lowered;
	s5 =	sadd.s32 s5, s7;
	[dreg:$0x0] =	wrdreg $0x0  }
0xb8: {  	s7 =	sshll.u32 s28, $0x1;
	[dreg:$0x2] =	wrdreg s5  }
0xb9: {  	[dreg:$0x3] =	wrdreg s7  }
0xba: {  	[dreg:$0x4] =	wrdreg $0xC0  }
0xbb: {  	_ =	task [dreg:s22], $0x5FFFF  }
0xbc: {  	[dreg:$0x1] =	wrdreg $0xFFFFFFFF  }
0xbd: {  	[dreg:$0x0] =	wrdreg $0x60  }
0xbe: {  	[dreg:$0x2] =	wrdreg s4  }
0xbf: {  	[dreg:$0x3] =	wrdreg s18  }
0xc0: {  	[dreg:$0x4] =	wrdreg s24  }
0xc1: {  	[dreg:$0x5] =	wrdreg $0xA  }
0xc2: {  	_ =	task.clear_ibuf [dreg:s22], $0x6FFFF;
	_ =	strace $0x90000049  }
0xc3: {  	s29 =	simm.s32 $0xA;
	_ =	strace $0x8000004B  }
0xc4: {  	_ =	swait.ge [sflag:s29], $0x1  }
0xc5: {  	[sflag:s29] =	ssyncadd.s32 $0xFFFFFFFF  }
0xc6: {  	_ =	strace $0x9000004B  }
0xc7: {  	_ =	sfence  }
0xc8: {  	s30 =	sld [smem:$0x0];
	_ =	sdelay $0x2  }
0xc9: {  	s31 =	sshll.u32 s1, $0xD;
	s1 =	sshrl.u32 s1, $0x2  }
0xca: {  	s4 =	sand.u32 $0x4000, s31;
	s1 =	sadd.s32 s1, s30  }
0xcb: {  	s0 =	sor.u32 s4, s0;
	s1 =	sshll.u32 s1, $0x11  }
0xcc: {  	s0 =	sor.u32 s1, s0  }
0xcd: {  	s0 =	sadd.s32 $0x8F2B, s0  }
0xce: {  	[sflag:s0] =	ssyncadd.remote.s32 $0x1  }
0xcf: {  	_ =	sfence.sel $0xFFFF  }
0xd0: {  	[dreg:$0x0] =	wrdreg $0xFFFFFFFF;
	(pc) =	sbr.abs _section_cstart, $3  }
0xd1: {  	[dreg:$0x1] =	wrdreg $0xFFFFFFFF  }
0xd2: {  	_ =	task.clear_ibuf [dreg:s22], $0x2FFFF;
	_ =	strace $0x9FFFFFFF  }
0xd3: {  	(tm) =	ssettm $0x7FFFFFFF  }
tec
execute0_lowered:
.L_overlay_start_1:
0x0: {  	(tag) =	ssettag $0x1  }
0x1: {  	s0 =	srdreg.scid  }
0x2: {  	s5 =	stileid.u32;
	s1 =	rddreg [dreg:$0x0]  }
0x3: {  	s4 =	rddreg [dreg:$0x1];
	s0 =	sand.u32 $0x1, s0;
	s2 =	sshll.u32 s5, $0x1  }
0x4: {  	s6 =	rddreg [dreg:$0x2];
	s2 =	sor.u32 s0, s2  }
0x5: {  	s5 =	sshll.u32 s5, $0x2;
	s3 =	sshll.u32 s2, $0x6;
	s2 =	sshll.u32 s2, $0xE  }
0x6: {  	s5 =	sor.u32 s3, s5;
	s3 =	simm.s32 $0x0;
	s2 =	sadd.s32 s2, s6  }
0x7: {  	[smem:$0x7FF] =	sst s3;
	s22 =	sadd.s32 $0x81200, s2  }
0x8: {  	s23 =	sadd.s32 $0x81A00, s2;
	_ =	strace $0x8000004A;
	[dreg:$0x5] =	wrdreg s22  }
0x9: {  	s24 =	sadd.s32 $0x82200, s2;
	[dreg:$0x6] =	wrdreg s23  }
0xa: {  	s25 =	sadd.s32 $0x82A00, s2;
	[dreg:$0x7] =	wrdreg s24  }
0xb: {  	s26 =	sadd.s32 $0x83200, s2;
	[dreg:$0x8] =	wrdreg s25  }
0xc: {  	s6 =	sadd.s32 $0x84200, s2;
	[dreg:$0x9] =	wrdreg s26  }
0xd: {  	s7 =	simm.s32 $0x4880;
	[dreg:$0xb] =	wrdreg s6  }
0xe: {  	s8 =	simm.s32 $0x5080;
	[dreg:$0xd] =	wrdreg s7  }
0xf: {  	s9 =	simm.s32 $0x5880;
	[dreg:$0xe] =	wrdreg s8  }
0x10: {  	s10 =	simm.s32 $0x6080;
	[dreg:$0xf] =	wrdreg s9  }
0x11: {  	s11 =	simm.s32 $0x6880;
	[dreg:$0x10] =	wrdreg s10  }
0x12: {  	s12 =	simm.s32 $0x7080;
	[dreg:$0x11] =	wrdreg s11  }
0x13: {  	s13 =	simm.s32 $0x7880;
	[dreg:$0x12] =	wrdreg s12  }
0x14: {  	s14 =	simm.s32 $0x8880;
	[dreg:$0x13] =	wrdreg s13  }
0x15: {  	s15 =	simm.s32 $0x9080;
	[dreg:$0x14] =	wrdreg s14  }
0x16: {  	s16 =	simm.s32 $0x9880;
	[dreg:$0x15] =	wrdreg s15  }
0x17: {  	s17 =	simm.s32 $0xA080;
	[dreg:$0x16] =	wrdreg s16  }
0x18: {  	s18 =	simm.s32 $0xA880;
	[dreg:$0x17] =	wrdreg s17  }
0x19: {  	s19 =	simm.s32 $0xB080;
	[dreg:$0x18] =	wrdreg s18  }
0x1a: {  	s20 =	simm.s32 $0xB880;
	[dreg:$0x19] =	wrdreg s19  }
0x1b: {  	s21 =	simm.s32 $0xC880;
	s5 =	sand.u32 $0x1F0, s5;
	[dreg:$0x1a] =	wrdreg s20  }
0x1c: {  	s4 =	sadd.s32 s5, s4;
	s5 =	sadd.s32 $0x83A00, s2;
	[dreg:$0x1b] =	wrdreg s21  }
0x1d: {  	s2 =	sadd.s32 $0x84A00, s2;
	[dreg:$0xa] =	wrdreg s5  }
0x1e: {  	s22 =	simm.s32 $0xD080;
	[dreg:$0xc] =	wrdreg s2  }
0x1f: {  	s23 =	simm.s32 $0xD880;
	[dreg:$0x1c] =	wrdreg s22  }
0x20: {  	s24 =	simm.s32 $0xE080;
	[dreg:$0x1d] =	wrdreg s23  }
0x21: {  	s25 =	simm.s32 $0xE880;
	[dreg:$0x1e] =	wrdreg s24  }
0x22: {  	s26 =	simm.s32 $0xF080;
	[dreg:$0x1f] =	wrdreg s25  }
0x23: {  	s6 =	simm.s32 $0x10880;
	[smem:$0x7E7] =	sst s26  }
0x24: {  	s7 =	simm.s32 $0x11080;
	[smem:$0x7E9] =	sst s6  }
0x25: {  	s8 =	simm.s32 $0x11880;
	[smem:$0x7EA] =	sst s7  }
0x26: {  	s9 =	simm.s32 $0x12080;
	[smem:$0x7EB] =	sst s8  }
0x27: {  	s10 =	simm.s32 $0x12880;
	[smem:$0x7EC] =	sst s9  }
0x28: {  	s11 =	simm.s32 $0x13080;
	[smem:$0x7ED] =	sst s10  }
0x29: {  	s12 =	simm.s32 $0x13880;
	[smem:$0x7EE] =	sst s11  }
0x2a: {  	s13 =	simm.s32 $0x14880;
	[smem:$0x7EF] =	sst s12  }
0x2b: {  	s31 =	simm.s32 $0x7;
	s14 =	simm.s32 $0x15080;
	[smem:$0x7F0] =	sst s13  }
0x2c: {  	s28 =	simm.s32 $0x10080;
	s15 =	simm.s32 $0x15880;
	[smem:$0x7F1] =	sst s14  }
0x2d: {  	s29 =	simm.s32 $0x14080;
	s16 =	simm.s32 $0x16080;
	[smem:$0x7F2] =	sst s15  }
0x2e: {  	s30 =	simm.s32 $0x18080;
	s17 =	simm.s32 $0x16880;
	[smem:$0x7F3] =	sst s16  }
0x2f: {  	s0 =	ssub.s32 $0x2, s0;
	s18 =	simm.s32 $0x17080;
	[smem:$0x7F4] =	sst s17  }
0x30: {  	s19 =	simm.s32 $0x17880;
	s20 =	simm.s32 $0x18880;
	[smem:$0x7F5] =	sst s18  }
0x31: {  	s21 =	simm.s32 $0x19080;
	s4 =	sadd.s32 $0x200, s4;
	[smem:$0x7F6] =	sst s19  }
0x32: {  	s5 =	sshrl.u32 s0, $0x1;
	s6 =	sadd.s32 $0x300, s1;
	[smem:$0x7F7] =	sst s20  }
0x33: {  	s9 =	simm.s32 $0x80;
	[smem:$0x7F8] =	sst s21;
	s22 =	simm.s32 $0x19880  }
0x34: {  	s23 =	simm.s32 $0x1A080;
	s24 =	simm.s32 $0x1A880;
	s25 =	simm.s32 $0x1B080  }
0x35: {  	s26 =	simm.s32 $0x1B880;
	s2 =	simm.s32 $0x9;
	s10 =	simm.s32 $0xB  }
0x36: {  	s11 =	simm.s32 $0xC;
	s12 =	simm.s32 $0xD;
	s13 =	simm.s32 $0xE  }
0x37: {  	s16 =	simm.s32 $0x880;
	s17 =	simm.s32 $0x1080;
	[dreg:$0x4] =	wrdreg s4  }
0x38: {  	s18 =	simm.s32 $0x1880;
	s19 =	simm.s32 $0x2080;
	[smem:$0x7F9] =	sst s22  }
0x39: {  	s20 =	simm.s32 $0x2880;
	s21 =	simm.s32 $0x3080;
	[smem:$0x7FA] =	sst s23  }
0x3a: {  	s4 =	simm.s32 $0xF880;
	s0 =	ssub.s32 s0, s5;
	[smem:$0x7FB] =	sst s24  }
0x3b: {  	s5 =	sadd.s32 $0x200, s1;
	s22 =	simm.s32 $0x1;
	[smem:$0x7FC] =	sst s25  }
0x3c: {  	v2 =	vlaneseq.u32;
	[smem:$0x7FD] =	sst s26;
	s25 =	simm.s32 $0x8;
	s23 =	simm.s32 $0x3880  }
0x3d: {  	vm0 =	vmmov $0xffff;
	v1 =	vshrl.u32 v2, $0x3;
	s24 =	simm.s32 $0x8080;
	s26 =	simm.s32 $0xC080;
	[smem:$0x7E8] =	sst s4  }
0x3e: {  	v0 =	vand.u32 $0x7, v2;
	v2 =	vor.u32 $0x8, v2;
	v1 =	vmul.u32 $0x8, v1;
	s4 =	sadd.s32 $0x100, s1;
	s7 =	smax.u32 s0, $0x1;
	s0 =	simm.s32 $0xA  }
.LBB2_1:
0x3f: {  	s14 =	rddreg [dreg:$0x4];
	s8 =	simm.s32 $0xF  }
0x40: {  	[tilespmem:s3], [sflag:$0xF] =	stream.linear.gather [hbm4b:s14+s3], $0x80, $0x38;
	[tilespmem:$0x1C080] =	vst v63  }
0x41: {  	_ =	swait.ge [sflag:s8], $0x80  }
0x42: {  	[sflag:s8] =	ssyncset.done $0x0  }
0x43: {  	[sflag:s8] =	ssyncadd.s32 $0xFFFFFF80  }
0x44: {  	v3 =	vld [tilespmem:$0x0];
	_ =	sdelay $0x4  }
0x45: {  	v4 =	vshll.u32 v3, $0x3  }
0x46: {  	v3 =	vand.u32 $0x7, v3;
	v4 =	vand.u32 $0xFFFFFFC0, v4  }
0x47: {  	v3 =	vor.u32 v3, v4  }
0x48: {  	v4 =	vperm.xlane v3, v0;
	_ =	sdelay $0x1  }
0x49: {  	v4 =	vadd.s32 v1, v4;
	_ =	sdelay $0x4  }
0x4a: {  	[tilespmem:s9], [sflag:$0x1] =	stream.indirect_vreg.gather [hbm4b:s1+s3], $0x80, v4, vm0, $0xb8;
	[tilespmem:$0x1C080] =	vst v63  }
0x4b: {  	v3 =	vperm.xlane v3, v2  }
0x4c: {  	[tilespmem:s16], [sflag:$0x1] =	stream.indirect_vreg.gather [hbm4b:s4+s3], $0x80, v4, vm0, $0xb8;
	[tilespmem:$0x1C080] =	vst v63  }
0x4d: {  	v3 =	vadd.s32 v1, v3  }
0x4e: {  	[tilespmem:s17], [sflag:$0x1] =	stream.indirect_vreg.gather [hbm4b:s5+s3], $0x80, v4, vm0, $0xb8;
	[tilespmem:$0x1C080] =	vst v63  }
0x4f: {  	_ = 	snop  }
0x50: {  	[tilespmem:s18], [sflag:$0x1] =	stream.indirect_vreg.gather [hbm4b:s6+s3], $0x80, v4, vm0, $0xb8;
	[tilespmem:$0x1C080] =	vst v63  }
0x51: {  	_ = 	snop  }
0x52: {  	[tilespmem:s19], [sflag:$0x1] =	stream.indirect_vreg.gather [hbm4b:s1+s3], $0x80, v3, vm0, $0xb8;
	[tilespmem:$0x1C080] =	vst v63  }
0x53: {  	_ = 	snop  }
0x54: {  	[tilespmem:s20], [sflag:$0x1] =	stream.indirect_vreg.gather [hbm4b:s4+s3], $0x80, v3, vm0, $0xb8;
	[tilespmem:$0x1C080] =	vst v63  }
0x55: {  	_ = 	snop  }
0x56: {  	[tilespmem:s21], [sflag:$0x1] =	stream.indirect_vreg.gather [hbm4b:s5+s3], $0x80, v3, vm0, $0xb8;
	[tilespmem:$0x1C080] =	vst v63  }
0x57: {  	_ = 	snop  }
0x58: {  	[tilespmem:s23], [sflag:$0x1] =	stream.indirect_vreg.gather [hbm4b:s6+s3], $0x80, v3, vm0, $0xb8;
	[tilespmem:$0x1C080] =	vst v63  }
0x59: {  	v3 =	vld [tilespmem:$0x10];
	_ =	sdelay $0x4  }
0x5a: {  	v57 =	vshll.u32 v3, $0x3  }
0x5b: {  	v3 =	vand.u32 $0x7, v3;
	v4 =	vand.u32 $0xFFFFFFC0, v57  }
0x5c: {  	v3 =	vor.u32 v3, v4  }
0x5d: {  	v4 =	vperm.xlane v3, v0;
	_ =	sdelay $0x1  }
0x5e: {  	v4 =	vadd.s32 v1, v4;
	_ =	sdelay $0x3  }
0x5f: {  	s8 =	simm.s32 $0x4080  }
0x60: {  	[tilespmem:s8], [sflag:$0x2] =	stream.indirect_vreg.gather [hbm4b:s1+s3], $0x80, v4, vm0, $0xb8;
	[tilespmem:$0x1C080] =	vst v63  }
0x61: {  	s14 =	rddreg [dreg:$0xd];
	v3 =	vperm.xlane v3, v2  }
0x62: {  	[tilespmem:s14], [sflag:$0x2] =	stream.indirect_vreg.gather [hbm4b:s4+s3], $0x80, v4, vm0, $0xb8;
	[tilespmem:$0x1C080] =	vst v63  }
0x63: {  	s15 =	rddreg [dreg:$0xe];
	v3 =	vadd.s32 v1, v3  }
0x64: {  	[tilespmem:s15], [sflag:$0x2] =	stream.indirect_vreg.gather [hbm4b:s5+s3], $0x80, v4, vm0, $0xb8;
	[tilespmem:$0x1C080] =	vst v63  }
0x65: {  	s14 =	rddreg [dreg:$0xf]  }
0x66: {  	[tilespmem:s14], [sflag:$0x2] =	stream.indirect_vreg.gather [hbm4b:s6+s3], $0x80, v4, vm0, $0xb8;
	[tilespmem:$0x1C080] =	vst v63  }
0x67: {  	s15 =	rddreg [dreg:$0x10]  }
0x68: {  	[tilespmem:s15], [sflag:$0x2] =	stream.indirect_vreg.gather [hbm4b:s1+s3], $0x80, v3, vm0, $0xb8;
	[tilespmem:$0x1C080] =	vst v63  }
0x69: {  	s14 =	rddreg [dreg:$0x11]  }
0x6a: {  	[tilespmem:s14], [sflag:$0x2] =	stream.indirect_vreg.gather [hbm4b:s4+s3], $0x80, v3, vm0, $0xb8;
	[tilespmem:$0x1C080] =	vst v63  }
0x6b: {  	s15 =	rddreg [dreg:$0x12]  }
0x6c: {  	[tilespmem:s15], [sflag:$0x2] =	stream.indirect_vreg.gather [hbm4b:s5+s3], $0x80, v3, vm0, $0xb8;
	[tilespmem:$0x1C080] =	vst v63  }
0x6d: {  	s14 =	rddreg [dreg:$0x13]  }
0x6e: {  	[tilespmem:s14], [sflag:$0x2] =	stream.indirect_vreg.gather [hbm4b:s6+s3], $0x80, v3, vm0, $0xb8;
	[tilespmem:$0x1C080] =	vst v63  }
0x6f: {  	v3 =	vld [tilespmem:$0x20];
	_ =	sdelay $0x4  }
0x70: {  	v58 =	vshll.u32 v3, $0x3  }
0x71: {  	v3 =	vand.u32 $0x7, v3;
	v4 =	vand.u32 $0xFFFFFFC0, v58  }
0x72: {  	v3 =	vor.u32 v3, v4  }
0x73: {  	v4 =	vperm.xlane v3, v0;
	_ =	sdelay $0x1  }
0x74: {  	v4 =	vadd.s32 v1, v4;
	_ =	sdelay $0x4  }
0x75: {  	[tilespmem:s24], [sflag:$0x3] =	stream.indirect_vreg.gather [hbm4b:s1+s3], $0x80, v4, vm0, $0xb8;
	[tilespmem:$0x1C080] =	vst v63  }
0x76: {  	s14 =	rddreg [dreg:$0x14];
	v3 =	vperm.xlane v3, v2  }
0x77: {  	[tilespmem:s14], [sflag:$0x3] =	stream.indirect_vreg.gather [hbm4b:s4+s3], $0x80, v4, vm0, $0xb8;
	[tilespmem:$0x1C080] =	vst v63  }
0x78: {  	s15 =	rddreg [dreg:$0x15];
	v3 =	vadd.s32 v1, v3  }
0x79: {  	[tilespmem:s15], [sflag:$0x3] =	stream.indirect_vreg.gather [hbm4b:s5+s3], $0x80, v4, vm0, $0xb8;
	[tilespmem:$0x1C080] =	vst v63  }
0x7a: {  	s14 =	rddreg [dreg:$0x16]  }
0x7b: {  	[tilespmem:s14], [sflag:$0x3] =	stream.indirect_vreg.gather [hbm4b:s6+s3], $0x80, v4, vm0, $0xb8;
	[tilespmem:$0x1C080] =	vst v63  }
0x7c: {  	s15 =	rddreg [dreg:$0x17]  }
0x7d: {  	[tilespmem:s15], [sflag:$0x3] =	stream.indirect_vreg.gather [hbm4b:s1+s3], $0x80, v3, vm0, $0xb8;
	[tilespmem:$0x1C080] =	vst v63  }
0x7e: {  	s14 =	rddreg [dreg:$0x18]  }
0x7f: {  	[tilespmem:s14], [sflag:$0x3] =	stream.indirect_vreg.gather [hbm4b:s4+s3], $0x80, v3, vm0, $0xb8;
	[tilespmem:$0x1C080] =	vst v63  }
0x80: {  	s15 =	rddreg [dreg:$0x19]  }
0x81: {  	[tilespmem:s15], [sflag:$0x3] =	stream.indirect_vreg.gather [hbm4b:s5+s3], $0x80, v3, vm0, $0xb8;
	[tilespmem:$0x1C080] =	vst v63  }
0x82: {  	s14 =	rddreg [dreg:$0x1a]  }
0x83: {  	[tilespmem:s14], [sflag:$0x3] =	stream.indirect_vreg.gather [hbm4b:s6+s3], $0x80, v3, vm0, $0xb8;
	[tilespmem:$0x1C080] =	vst v63  }
0x84: {  	v3 =	vld [tilespmem:$0x30];
	_ =	sdelay $0x4  }
0x85: {  	v59 =	vshll.u32 v3, $0x3  }
0x86: {  	v3 =	vand.u32 $0x7, v3;
	v4 =	vand.u32 $0xFFFFFFC0, v59  }
0x87: {  	v3 =	vor.u32 v3, v4  }
0x88: {  	v4 =	vperm.xlane v3, v0;
	_ =	sdelay $0x1  }
0x89: {  	v4 =	vadd.s32 v1, v4;
	_ =	sdelay $0x3  }
0x8a: {  	s15 =	rddreg [dreg:$0x1c]  }
0x8b: {  	[tilespmem:s26], [sflag:$0x4] =	stream.indirect_vreg.gather [hbm4b:s1+s3], $0x80, v4, vm0, $0xb8;
	[tilespmem:$0x1C080] =	vst v63  }
0x8c: {  	s14 =	rddreg [dreg:$0x1b];
	v3 =	vperm.xlane v3, v2  }
0x8d: {  	[tilespmem:s14], [sflag:$0x4] =	stream.indirect_vreg.gather [hbm4b:s4+s3], $0x80, v4, vm0, $0xb8;
	[tilespmem:$0x1C080] =	vst v63  }
0x8e: {  	v3 =	vadd.s32 v1, v3;
	s14 =	rddreg [dreg:$0x1d]  }
0x8f: {  	[tilespmem:s15], [sflag:$0x4] =	stream.indirect_vreg.gather [hbm4b:s5+s3], $0x80, v4, vm0, $0xb8;
	[tilespmem:$0x1C080] =	vst v63  }
0x90: {  	s15 =	rddreg [dreg:$0x1e]  }
0x91: {  	[tilespmem:s14], [sflag:$0x4] =	stream.indirect_vreg.gather [hbm4b:s6+s3], $0x80, v4, vm0, $0xb8;
	[tilespmem:$0x1C080] =	vst v63  }
0x92: {  	s14 =	rddreg [dreg:$0x1f]  }
0x93: {  	[tilespmem:s15], [sflag:$0x4] =	stream.indirect_vreg.gather [hbm4b:s1+s3], $0x80, v3, vm0, $0xb8;
	[tilespmem:$0x1C080] =	vst v63  }
0x94: {  	s15 =	sld [smem:$0x7E7]  }
0x95: {  	[tilespmem:s14], [sflag:$0x4] =	stream.indirect_vreg.gather [hbm4b:s4+s3], $0x80, v3, vm0, $0xb8;
	[tilespmem:$0x1C080] =	vst v63  }
0x96: {  	s14 =	sld [smem:$0x7E8]  }
0x97: {  	[tilespmem:s15], [sflag:$0x4] =	stream.indirect_vreg.gather [hbm4b:s5+s3], $0x80, v3, vm0, $0xb8;
	[tilespmem:$0x1C080] =	vst v63  }
0x98: {  	_ = 	snop  }
0x99: {  	[tilespmem:s14], [sflag:$0x4] =	stream.indirect_vreg.gather [hbm4b:s6+s3], $0x80, v3, vm0, $0xb8;
	[tilespmem:$0x1C080] =	vst v63  }
0x9a: {  	v3 =	vld [tilespmem:$0x40];
	_ =	sdelay $0x4  }
0x9b: {  	v60 =	vshll.u32 v3, $0x3  }
0x9c: {  	v3 =	vand.u32 $0x7, v3;
	v4 =	vand.u32 $0xFFFFFFC0, v60  }
0x9d: {  	v3 =	vor.u32 v3, v4  }
0x9e: {  	v4 =	vperm.xlane v3, v0;
	_ =	sdelay $0x1  }
0x9f: {  	v4 =	vadd.s32 v1, v4;
	_ =	sdelay $0x3  }
0xa0: {  	s14 =	sld [smem:$0x7E9]  }
0xa1: {  	[tilespmem:s28], [sflag:$0x5] =	stream.indirect_vreg.gather [hbm4b:s1+s3], $0x80, v4, vm0, $0xb8;
	[tilespmem:$0x1C080] =	vst v63  }
0xa2: {  	s15 =	sld [smem:$0x7EA];
	v3 =	vperm.xlane v3, v2  }
0xa3: {  	[tilespmem:s14], [sflag:$0x5] =	stream.indirect_vreg.gather [hbm4b:s4+s3], $0x80, v4, vm0, $0xb8;
	[tilespmem:$0x1C080] =	vst v63  }
0xa4: {  	v3 =	vadd.s32 v1, v3;
	s14 =	sld [smem:$0x7EB]  }
0xa5: {  	[tilespmem:s15], [sflag:$0x5] =	stream.indirect_vreg.gather [hbm4b:s5+s3], $0x80, v4, vm0, $0xb8;
	[tilespmem:$0x1C080] =	vst v63  }
0xa6: {  	s15 =	sld [smem:$0x7EC]  }
0xa7: {  	[tilespmem:s14], [sflag:$0x5] =	stream.indirect_vreg.gather [hbm4b:s6+s3], $0x80, v4, vm0, $0xb8;
	[tilespmem:$0x1C080] =	vst v63  }
0xa8: {  	s14 =	sld [smem:$0x7ED]  }
0xa9: {  	[tilespmem:s15], [sflag:$0x5] =	stream.indirect_vreg.gather [hbm4b:s1+s3], $0x80, v3, vm0, $0xb8;
	[tilespmem:$0x1C080] =	vst v63  }
0xaa: {  	s15 =	sld [smem:$0x7EE]  }
0xab: {  	[tilespmem:s14], [sflag:$0x5] =	stream.indirect_vreg.gather [hbm4b:s4+s3], $0x80, v3, vm0, $0xb8;
	[tilespmem:$0x1C080] =	vst v63  }
0xac: {  	s14 =	sld [smem:$0x7EF]  }
0xad: {  	[tilespmem:s15], [sflag:$0x5] =	stream.indirect_vreg.gather [hbm4b:s5+s3], $0x80, v3, vm0, $0xb8;
	[tilespmem:$0x1C080] =	vst v63  }
0xae: {  	_ = 	snop  }
0xaf: {  	[tilespmem:s14], [sflag:$0x5] =	stream.indirect_vreg.gather [hbm4b:s6+s3], $0x80, v3, vm0, $0xb8;
	[tilespmem:$0x1C080] =	vst v63  }
0xb0: {  	v3 =	vld [tilespmem:$0x50];
	_ =	sdelay $0x4  }
0xb1: {  	v61 =	vshll.u32 v3, $0x3  }
0xb2: {  	v3 =	vand.u32 $0x7, v3;
	v4 =	vand.u32 $0xFFFFFFC0, v61  }
0xb3: {  	v3 =	vor.u32 v3, v4  }
0xb4: {  	v4 =	vperm.xlane v3, v0;
	_ =	sdelay $0x1  }
0xb5: {  	v4 =	vadd.s32 v1, v4;
	_ =	sdelay $0x3  }
0xb6: {  	s14 =	sld [smem:$0x7F0]  }
0xb7: {  	[tilespmem:s29], [sflag:$0x6] =	stream.indirect_vreg.gather [hbm4b:s1+s3], $0x80, v4, vm0, $0xb8;
	[tilespmem:$0x1C080] =	vst v63  }
0xb8: {  	s15 =	sld [smem:$0x7F1];
	v3 =	vperm.xlane v3, v2  }
0xb9: {  	[tilespmem:s14], [sflag:$0x6] =	stream.indirect_vreg.gather [hbm4b:s4+s3], $0x80, v4, vm0, $0xb8;
	[tilespmem:$0x1C080] =	vst v63  }
0xba: {  	v3 =	vadd.s32 v1, v3;
	s14 =	sld [smem:$0x7F2]  }
0xbb: {  	[tilespmem:s15], [sflag:$0x6] =	stream.indirect_vreg.gather [hbm4b:s5+s3], $0x80, v4, vm0, $0xb8;
	[tilespmem:$0x1C080] =	vst v63  }
0xbc: {  	s15 =	sld [smem:$0x7F3]  }
0xbd: {  	[tilespmem:s14], [sflag:$0x6] =	stream.indirect_vreg.gather [hbm4b:s6+s3], $0x80, v4, vm0, $0xb8;
	[tilespmem:$0x1C080] =	vst v63  }
0xbe: {  	s14 =	sld [smem:$0x7F4]  }
0xbf: {  	[tilespmem:s15], [sflag:$0x6] =	stream.indirect_vreg.gather [hbm4b:s1+s3], $0x80, v3, vm0, $0xb8;
	[tilespmem:$0x1C080] =	vst v63  }
0xc0: {  	s15 =	sld [smem:$0x7F5]  }
0xc1: {  	[tilespmem:s14], [sflag:$0x6] =	stream.indirect_vreg.gather [hbm4b:s4+s3], $0x80, v3, vm0, $0xb8;
	[tilespmem:$0x1C080] =	vst v63  }
0xc2: {  	s14 =	sld [smem:$0x7F6]  }
0xc3: {  	[tilespmem:s15], [sflag:$0x6] =	stream.indirect_vreg.gather [hbm4b:s5+s3], $0x80, v3, vm0, $0xb8;
	[tilespmem:$0x1C080] =	vst v63  }
0xc4: {  	_ = 	snop  }
0xc5: {  	[tilespmem:s14], [sflag:$0x6] =	stream.indirect_vreg.gather [hbm4b:s6+s3], $0x80, v3, vm0, $0xb8;
	[tilespmem:$0x1C080] =	vst v63  }
0xc6: {  	_ =	swait.ge [sflag:s22], $0x4000  }
0xc7: {  	[sflag:s22] =	ssyncset.done $0x0  }
0xc8: {  	s15 =	rddreg [dreg:$0x5];
	[sflag:s22] =	ssyncadd.s32 $0xFFFFC000  }
0xc9: {  	[hbm4b:s15+s3] =	stream.linear.scatter [tilespmem:s9], [sflag:$0x8], $0x4000, $0x38;
	[tilespmem:$0x1C080] =	vst v63  }
0xca: {  	v3 =	vld [tilespmem:$0x60];
	_ =	sdelay $0x4  }
0xcb: {  	v62 =	vshll.u32 v3, $0x3  }
0xcc: {  	v3 =	vand.u32 $0x7, v3;
	v4 =	vand.u32 $0xFFFFFFC0, v62  }
0xcd: {  	v3 =	vor.u32 v3, v4  }
0xce: {  	v4 =	vperm.xlane v3, v0;
	_ =	sdelay $0x1  }
0xcf: {  	v4 =	vadd.s32 v1, v4;
	_ =	sdelay $0x3  }
0xd0: {  	s14 =	sld [smem:$0x7F7]  }
0xd1: {  	[tilespmem:s30], [sflag:$0x7] =	stream.indirect_vreg.gather [hbm4b:s1+s3], $0x80, v4, vm0, $0xb8;
	[tilespmem:$0x1C080] =	vst v63  }
0xd2: {  	s15 =	sld [smem:$0x7F8];
	v3 =	vperm.xlane v3, v2  }
0xd3: {  	[tilespmem:s14], [sflag:$0x7] =	stream.indirect_vreg.gather [hbm4b:s4+s3], $0x80, v4, vm0, $0xb8;
	[tilespmem:$0x1C080] =	vst v63  }
0xd4: {  	v3 =	vadd.s32 v1, v3;
	s14 =	sld [smem:$0x7F9]  }
0xd5: {  	[tilespmem:s15], [sflag:$0x7] =	stream.indirect_vreg.gather [hbm4b:s5+s3], $0x80, v4, vm0, $0xb8;
	[tilespmem:$0x1C080] =	vst v63  }
0xd6: {  	s15 =	sld [smem:$0x7FA]  }
0xd7: {  	[tilespmem:s14], [sflag:$0x7] =	stream.indirect_vreg.gather [hbm4b:s6+s3], $0x80, v4, vm0, $0xb8;
	[tilespmem:$0x1C080] =	vst v63  }
0xd8: {  	s14 =	sld [smem:$0x7FB]  }
0xd9: {  	[tilespmem:s15], [sflag:$0x7] =	stream.indirect_vreg.gather [hbm4b:s1+s3], $0x80, v3, vm0, $0xb8;
	[tilespmem:$0x1C080] =	vst v63  }
0xda: {  	s15 =	sld [smem:$0x7FC]  }
0xdb: {  	[tilespmem:s14], [sflag:$0x7] =	stream.indirect_vreg.gather [hbm4b:s4+s3], $0x80, v3, vm0, $0xb8;
	[tilespmem:$0x1C080] =	vst v63  }
0xdc: {  	s14 =	sld [smem:$0x7FD]  }
0xdd: {  	[tilespmem:s15], [sflag:$0x7] =	stream.indirect_vreg.gather [hbm4b:s5+s3], $0x80, v3, vm0, $0xb8;
	[tilespmem:$0x1C080] =	vst v63  }
0xde: {  	s15 =	simm.s32 $0x2  }
0xdf: {  	[tilespmem:s14], [sflag:$0x7] =	stream.indirect_vreg.gather [hbm4b:s6+s3], $0x80, v3, vm0, $0xb8;
	[tilespmem:$0x1C080] =	vst v63  }
0xe0: {  	_ =	swait.ge [sflag:s15], $0x4000  }
0xe1: {  	[sflag:s15] =	ssyncset.done $0x0  }
0xe2: {  	s14 =	rddreg [dreg:$0x6];
	[sflag:s15] =	ssyncadd.s32 $0xFFFFC000  }
0xe3: {  	[hbm4b:s14+s3] =	stream.linear.scatter [tilespmem:s8], [sflag:$0x9], $0x4000, $0x38;
	[tilespmem:$0x1C080] =	vst v63  }
0xe4: {  	_ =	swait.ge [sflag:s25], $0x4000  }
0xe5: {  	[sflag:s25] =	ssyncset.done $0x0  }
0xe6: {  	[sflag:s25] =	ssyncadd.s32 $0xFFFFC000  }
0xe7: {  	v3 =	vld [tilespmem:$0x70];
	_ =	sdelay $0x4  }
0xe8: {  	v63 =	vshll.u32 v3, $0x3  }
0xe9: {  	v3 =	vand.u32 $0x7, v3;
	v4 =	vand.u32 $0xFFFFFFC0, v63  }
0xea: {  	v3 =	vor.u32 v3, v4  }
0xeb: {  	v4 =	vperm.xlane v3, v0;
	_ =	sdelay $0x1  }
0xec: {  	v4 =	vadd.s32 v1, v4;
	_ =	sdelay $0x4  }
0xed: {  	[tilespmem:s9], [sflag:$0x1] =	stream.indirect_vreg.gather [hbm4b:s1+s3], $0x80, v4, vm0, $0xb8;
	[tilespmem:$0x1C080] =	vst v63  }
0xee: {  	v3 =	vperm.xlane v3, v2  }
0xef: {  	[tilespmem:s16], [sflag:$0x1] =	stream.indirect_vreg.gather [hbm4b:s4+s3], $0x80, v4, vm0, $0xb8;
	[tilespmem:$0x1C080] =	vst v63  }
0xf0: {  	v3 =	vadd.s32 v1, v3  }
0xf1: {  	[tilespmem:s17], [sflag:$0x1] =	stream.indirect_vreg.gather [hbm4b:s5+s3], $0x80, v4, vm0, $0xb8;
	[tilespmem:$0x1C080] =	vst v63  }
0xf2: {  	_ = 	snop  }
0xf3: {  	[tilespmem:s18], [sflag:$0x1] =	stream.indirect_vreg.gather [hbm4b:s6+s3], $0x80, v4, vm0, $0xb8;
	[tilespmem:$0x1C080] =	vst v63  }
0xf4: {  	_ = 	snop  }
0xf5: {  	[tilespmem:s19], [sflag:$0x1] =	stream.indirect_vreg.gather [hbm4b:s1+s3], $0x80, v3, vm0, $0xb8;
	[tilespmem:$0x1C080] =	vst v63  }
0xf6: {  	_ = 	snop  }
0xf7: {  	[tilespmem:s20], [sflag:$0x1] =	stream.indirect_vreg.gather [hbm4b:s4+s3], $0x80, v3, vm0, $0xb8;
	[tilespmem:$0x1C080] =	vst v63  }
0xf8: {  	_ = 	snop  }
0xf9: {  	[tilespmem:s21], [sflag:$0x1] =	stream.indirect_vreg.gather [hbm4b:s5+s3], $0x80, v3, vm0, $0xb8;
	[tilespmem:$0x1C080] =	vst v63  }
0xfa: {  	s14 =	simm.s32 $0x3  }
0xfb: {  	[tilespmem:s23], [sflag:$0x1] =	stream.indirect_vreg.gather [hbm4b:s6+s3], $0x80, v3, vm0, $0xb8;
	[tilespmem:$0x1C080] =	vst v63  }
0xfc: {  	_ =	swait.ge [sflag:s14], $0x4000  }
0xfd: {  	[sflag:s14] =	ssyncset.done $0x0  }
0xfe: {  	s15 =	rddreg [dreg:$0x7];
	[sflag:s14] =	ssyncadd.s32 $0xFFFFC000;
	s14 =	simm.s32 $0x4  }
0xff: {  	[hbm4b:s15+s3] =	stream.linear.scatter [tilespmem:s24], [sflag:$0xA], $0x4000, $0x38;
	[tilespmem:$0x1C080] =	vst v63  }
0x100: {  	_ =	swait.ge [sflag:s14], $0x4000  }
0x101: {  	[sflag:s14] =	ssyncset.done $0x0  }
0x102: {  	s15 =	rddreg [dreg:$0x8];
	[sflag:s14] =	ssyncadd.s32 $0xFFFFC000;
	s14 =	simm.s32 $0x5  }
0x103: {  	[hbm4b:s15+s3] =	stream.linear.scatter [tilespmem:s26], [sflag:$0xB], $0x4000, $0x38;
	[tilespmem:$0x1C080] =	vst v63  }
0x104: {  	_ =	swait.ge [sflag:s14], $0x4000  }
0x105: {  	[sflag:s14] =	ssyncset.done $0x0  }
0x106: {  	s15 =	rddreg [dreg:$0x9];
	[sflag:s14] =	ssyncadd.s32 $0xFFFFC000;
	s14 =	simm.s32 $0x6  }
0x107: {  	[hbm4b:s15+s3] =	stream.linear.scatter [tilespmem:s28], [sflag:$0xC], $0x4000, $0x38;
	[tilespmem:$0x1C080] =	vst v63  }
0x108: {  	_ =	swait.ge [sflag:s14], $0x4000  }
0x109: {  	[sflag:s14] =	ssyncset.done $0x0  }
0x10a: {  	s15 =	rddreg [dreg:$0xa];
	[sflag:s14] =	ssyncadd.s32 $0xFFFFC000  }
0x10b: {  	[hbm4b:s15+s3] =	stream.linear.scatter [tilespmem:s29], [sflag:$0xD], $0x4000, $0x38;
	[tilespmem:$0x1C080] =	vst v63  }
0x10c: {  	_ =	swait.ge [sflag:s31], $0x4000  }
0x10d: {  	[sflag:s31] =	ssyncset.done $0x0  }
0x10e: {  	s8 =	rddreg [dreg:$0xb];
	[sflag:s31] =	ssyncadd.s32 $0xFFFFC000  }
0x10f: {  	[hbm4b:s8+s3] =	stream.linear.scatter [tilespmem:s30], [sflag:$0xE], $0x4000, $0x38;
	[tilespmem:$0x1C080] =	vst v63  }
0x110: {  	_ =	swait.ge [sflag:s22], $0x4000  }
0x111: {  	[sflag:s22] =	ssyncset.done $0x0  }
0x112: {  	s15 =	rddreg [dreg:$0xc];
	[sflag:s22] =	ssyncadd.s32 $0xFFFFC000  }
0x113: {  	[hbm4b:s15+s3] =	stream.linear.scatter [tilespmem:s9], [sflag:$0x8], $0x4000, $0x38;
	[tilespmem:$0x1C080] =	vst v63  }
0x114: {  	_ =	swait.ge [sflag:s2], $0x4000  }
0x115: {  	[sflag:s2] =	ssyncset.done $0x0  }
0x116: {  	[sflag:s2] =	ssyncadd.s32 $0xFFFFC000  }
0x117: {  	_ =	swait.ge [sflag:s0], $0x4000  }
0x118: {  	[sflag:s0] =	ssyncset.done $0x0  }
0x119: {  	[sflag:s0] =	ssyncadd.s32 $0xFFFFC000  }
0x11a: {  	_ =	swait.ge [sflag:s10], $0x4000  }
0x11b: {  	[sflag:s10] =	ssyncset.done $0x0  }
0x11c: {  	[sflag:s10] =	ssyncadd.s32 $0xFFFFC000  }
0x11d: {  	_ =	swait.ge [sflag:s11], $0x4000  }
0x11e: {  	[sflag:s11] =	ssyncset.done $0x0  }
0x11f: {  	[sflag:s11] =	ssyncadd.s32 $0xFFFFC000  }
0x120: {  	_ =	swait.ge [sflag:s12], $0x4000  }
0x121: {  	[sflag:s12] =	ssyncset.done $0x0  }
0x122: {  	[sflag:s12] =	ssyncadd.s32 $0xFFFFC000  }
0x123: {  	p0 =	sne.s32 s7, $0x1;
	_ =	swait.ge [sflag:s13], $0x4000  }
.Ltmp0:
0x124: {  	[sflag:s13] =	ssyncset.done $0x0;
	(pc) =	sbr.rel @p0 .LBB2_1-.Ltmp0, $4  }
0x125: {  	[sflag:s13] =	ssyncadd.s32 $0xFFFFC000  }
0x126: {  	_ =	swait.ge [sflag:s25], $0x4000  }
0x127: {  	[sflag:s25] =	ssyncset.done $0x0  }
0x128: {  	s7 =	sadd.s32 $0xFFFFFFFF, s7;
	[sflag:s25] =	ssyncadd.s32 $0xFFFFC000  }
0x129: {  	_ =	sfence.sel $0x180000  }
0x12a: {  	[bflag:$0x0] =	sbarrier.arrive $0xFFFF  }
0x12b: {  	_ =	strace $0x9000004A  }
0x12c: {  	s0 =	stileid.u32;
	[bflag:$0x2] =	sbarrier.arrive $0xFFFF  }
0x12d: {  	p0 =	sne.s32 s0, $0x0;
	s0 =	rddreg [dreg:$0x3]  }
0x12e: {  	s0 =	sadd.s32 @!p0 $0x100000, s0  }
0x12f: {  	[sflag:s0] =	ssyncadd.tile.s32 @!p0 $0x1;
	_ =	shalt  }
.Lfunc_end2:
_tile_overlayer_lowered:
.L_overlay_start_2:
0x130: {  	(tag) =	ssettag $0x2  }
0x131: {  	s0 =	rddreg [dreg:$0x0];
	s2 =	stileid.u32  }
0x132: {  	s1 =	rddreg [dreg:$0x1];
	p0 =	sne.s32 s2, $0x0  }
0x133: {  	s3 =	rddreg [dreg:$0x2];
	[bflag:$0x3] =	sbarrier.arrive $0xFFFF;
	s2 =	simm.s32 @!p0 $0x1C0F  }
0x134: {  	[timem:s3], [sflag:s2] =	dma.local @!p0 [hbm:s0], s1  }
0x135: {  	s0 =	simm.s32 @!p0 $0xF  }
0x136: {  	_ =	swait.ge @!p0 [sflag:s0], s1  }
0x137: {  	s1 =	ssub.s32 @!p0 $0x0, s1;
	[sflag:s0] =	ssyncset.done @!p0 $0x0  }
0x138: {  	[sflag:s0] =	ssyncadd.s32 @!p0 s1  }
0x139: {  	[bflag:$0x3] =	sbarrier.arrive $0xFFFF  }
0x13a: {  	_ =	shalt  }

</sc_bundles>
